<compile_context>
chip_gen: v7x
topology: tpu7x:2x2x1
jax: 0.10.2.dev20260603
libtpu: 0.0.44.dev20260713+nightly
codegen_flags: <defaults>
</compile_context>

<pallas_src>
import functools

import jax
import jax.numpy as jnp
from jax import lax
from jax.experimental import pallas as pl
from jax.experimental.pallas import tpu as pltpu
from jax.experimental.pallas import tpu_sc as plsc

N = 10000
D = 128
OUT = 64
E = 160000
E_TRAIN = 100000
E_REG = 150000
E_REG_PAD = 153600
E_TR_PAD = 102400
K_EDGE = 4000
N_CHUNK = E // K_EDGE
N_GROUP = K_EDGE // 16
NTILES = 32

_F32 = jnp.float32


def _mm_body(x_ref, wt_ref, wb_ref, b_ref, lab_ref, plab_ref, nlab_ref,
             yt_ref, bt_ref, wp_ref, wn_ref):
    x = x_ref[...]
    yt_ref[...] = jax.lax.dot_general(
        wt_ref[...], x, (((1,), (1,)), ((), ())), preferred_element_type=_F32)
    bt_ref[...] = jax.lax.dot_general(
        wb_ref[...], x, (((1,), (1,)), ((), ())),
        preferred_element_type=_F32) + b_ref[...]
    l0 = lab_ref[0:1, 0:1]
    l1 = lab_ref[0:1, 1:2]
    l2 = lab_ref[0:1, 2:3]
    pl_ = plab_ref[...]
    nl_ = nlab_ref[...]
    wp_ref[...] = jnp.where(pl_ == 0, l0, jnp.where(pl_ == 1, l1, l2))
    wn_ref[...] = jnp.where(nl_ == 0, l0, jnp.where(nl_ == 1, l1, l2))


def _run_mm(x, wtT, wbT, b2, lab2, plab2, nlab2):
    return pl.pallas_call(
        _mm_body,
        out_shape=[
            jax.ShapeDtypeStruct((OUT, N), _F32),
            jax.ShapeDtypeStruct((OUT, N), _F32),
            jax.ShapeDtypeStruct((1, E), _F32),
            jax.ShapeDtypeStruct((1, E), _F32),
        ],
    )(x, wtT, wbT, b2, lab2, plab2, nlab2)


def _agg_body(yt_h, pe_h, ne_h,
              stp_h, stn_h, cp_h, cn_h,
              y0, y1, s0p, s1p, s0n, s1n, cp, cn, ebufa, ebufb,
              sema, semb, semy):
    wid = lax.axis_index("s") * 2 + lax.axis_index("c")
    f0 = 2 * wid

    pltpu.sync_copy(yt_h.at[pl.ds(f0 * N, N)], y0)
    pltpu.sync_copy(yt_h.at[pl.ds((f0 + 1) * N, N)], y1)

    zeros16 = jnp.zeros((16,), _F32)

    def _zero(i, _):
        sl = pl.ds(i * 16, 16)
        s0p[sl] = zeros16
        s1p[sl] = zeros16
        s0n[sl] = zeros16
        s1n[sl] = zeros16
        cp[sl] = zeros16
        cn[sl] = zeros16
        return 0

    lax.fori_loop(0, N // 16, _zero, 0)

    ones16 = jnp.full((16,), 1.0, _F32)

    KB = 3 * K_EDGE

    def _process(e_h, s0, s1, cnt, do_cnt):
        def _consume(buf):
            def _group(g, _):
                sv = buf[pl.ds(g * 16, 16)]
                dv = buf[pl.ds(K_EDGE + g * 16, 16)]
                w = plsc.bitcast(buf[pl.ds(2 * K_EDGE + g * 16, 16)], _F32)
                plsc.addupdate_scatter(s0, [dv], plsc.load_gather(y0, [sv]) * w)
                plsc.addupdate_scatter(s1, [dv], plsc.load_gather(y1, [sv]) * w)
                if do_cnt:
                    plsc.addupdate_scatter(cnt, [dv], ones16)
                return 0

            lax.fori_loop(0, N_GROUP, _group, 0)

        pltpu.async_copy(e_h.at[pl.ds(0, KB)], ebufa, sema)

        def _pair(pi, _):
            pltpu.async_copy(e_h.at[pl.ds((2 * pi + 1) * KB, KB)], ebufb, semb)
            pltpu.make_async_copy(e_h.at[pl.ds(0, KB)], ebufa, sema).wait()
            _consume(ebufa)
            pltpu.async_copy(e_h.at[pl.ds((2 * pi + 2) * KB, KB)], ebufa, sema)
            pltpu.make_async_copy(e_h.at[pl.ds(0, KB)], ebufb, semb).wait()
            _consume(ebufb)
            return 0

        lax.fori_loop(0, N_CHUNK // 2, _pair, 0)
        pltpu.make_async_copy(e_h.at[pl.ds(0, KB)], ebufa, sema).wait()

    cidx = lax.axis_index("c")

    @pl.when(cidx == 0)
    def _():
        _process(pe_h, s0p, s1p, cp, True)
        _process(ne_h, s0n, s1n, cn, False)

    @pl.when(cidx == 1)
    def _():
        _process(pe_h, s0p, s1p, cp, False)
        _process(ne_h, s0n, s1n, cn, True)

    pltpu.sync_copy(s0p, stp_h.at[pl.ds(f0 * N, N)])
    pltpu.sync_copy(s1p, stp_h.at[pl.ds((f0 + 1) * N, N)])
    pltpu.sync_copy(s0n, stn_h.at[pl.ds(f0 * N, N)])
    pltpu.sync_copy(s1n, stn_h.at[pl.ds((f0 + 1) * N, N)])

    @pl.when(wid == 0)
    def _():
        pltpu.sync_copy(cp, cp_h)

    @pl.when(wid == 1)
    def _():
        pltpu.sync_copy(cn, cn_h)


def _run_agg(yt_flat, pe, ne):
    mesh = plsc.VectorSubcoreMesh(core_axis_name="c", subcore_axis_name="s", num_cores=2, num_subcores=16)
    f = pl.kernel(
        _agg_body,
        out_type=[
            jax.ShapeDtypeStruct((OUT * N,), _F32),
            jax.ShapeDtypeStruct((OUT * N,), _F32),
            jax.ShapeDtypeStruct((N,), _F32),
            jax.ShapeDtypeStruct((N,), _F32),
        ],
        mesh=mesh,
        compiler_params=pltpu.CompilerParams(needs_layout_passes=False),
        scratch_types=[
            pltpu.VMEM((N,), _F32),
            pltpu.VMEM((N,), _F32),
            pltpu.VMEM((N,), _F32),
            pltpu.VMEM((N,), _F32),
            pltpu.VMEM((N,), _F32),
            pltpu.VMEM((N,), _F32),
            pltpu.VMEM((N,), _F32),
            pltpu.VMEM((N,), _F32),
            pltpu.VMEM((3 * K_EDGE,), jnp.int32),
            pltpu.VMEM((3 * K_EDGE,), jnp.int32),
            pltpu.SemaphoreType.DMA,
            pltpu.SemaphoreType.DMA,
            pltpu.SemaphoreType.DMA,
        ],
    )
    return f(yt_flat, pe, ne)


def _post_body(sp_ref, sn_ref, bt_ref, cpr, cnr, rw_ref, wtop_ref, wbot_ref,
               rwo_ref, zt_ref, pt_ref, qt_ref, st_ref):
    bt = bt_ref[...]
    hp = jnp.tanh(sp_ref[...] / jnp.maximum(cpr[...], 1.0) + bt)
    hn = jnp.tanh(sn_ref[...] / jnp.maximum(cnr[...], 1.0) + bt)
    hcat = jnp.concatenate([hp, hn], axis=0)
    z = jnp.tanh(jax.lax.dot_general(
        hcat, rw_ref[...], (((0,), (0,)), ((), ())),
        preferred_element_type=_F32))
    zt_ref[...] = z
    pt_ref[...] = jax.lax.dot_general(
        wtop_ref[...], z, (((1,), (1,)), ((), ())), preferred_element_type=_F32)
    qt_ref[...] = jax.lax.dot_general(
        wbot_ref[...], z, (((1,), (1,)), ((), ())), preferred_element_type=_F32)
    st_ref[...] = jax.nn.sigmoid(jax.lax.dot_general(
        rwo_ref[...], z, (((1,), (1,)), ((), ())), preferred_element_type=_F32))


def _run_post(stp, stn, bt, cp2, cn2, rwT, wtopT, wbotT, rwoT):
    return pl.pallas_call(
        _post_body,
        out_shape=[
            jax.ShapeDtypeStruct((N, 2 * OUT), _F32),
            jax.ShapeDtypeStruct((3, N), _F32),
            jax.ShapeDtypeStruct((3, N), _F32),
            jax.ShapeDtypeStruct((1, N), _F32),
        ],
    )(stp, stn, bt, cp2, cn2, rwT, wtopT, wbotT, rwoT)


def _loss_body(pt_h, qt_h, st_h, se0_h, se1_h, te0_h, te1_h, ytr_h,
               pred_h, emb_h,
               p0, p1, p2, q0, q1, q2, st,
               se0b, se1b, pb0, pb1, pb2, te0b, te1b, ytb, accv):
    wid = lax.axis_index("s") * 2 + lax.axis_index("c")

    pltpu.sync_copy(pt_h.at[pl.ds(0 * N, N)], p0)
    pltpu.sync_copy(pt_h.at[pl.ds(1 * N, N)], p1)
    pltpu.sync_copy(pt_h.at[pl.ds(2 * N, N)], p2)
    pltpu.sync_copy(qt_h.at[pl.ds(0 * N, N)], q0)
    pltpu.sync_copy(qt_h.at[pl.ds(1 * N, N)], q1)
    pltpu.sync_copy(qt_h.at[pl.ds(2 * N, N)], q2)
    pltpu.sync_copy(st_h, st)

    nreg = E_REG_PAD // NTILES
    base = wid * nreg
    pltpu.sync_copy(se0_h.at[pl.ds(base, nreg)], se0b)
    pltpu.sync_copy(se1_h.at[pl.ds(base, nreg)], se1b)

    def _reg(g, _):
        sl = pl.ds(g * 16, 16)
        e0 = se0b[sl]
        e1 = se1b[sl]
        pb0[sl] = plsc.load_gather(p0, [e0]) + plsc.load_gather(q0, [e1])
        pb1[sl] = plsc.load_gather(p1, [e0]) + plsc.load_gather(q1, [e1])
        pb2[sl] = plsc.load_gather(p2, [e0]) + plsc.load_gather(q2, [e1])
        return 0

    lax.fori_loop(0, nreg // 16, _reg, 0)
    pltpu.sync_copy(pb0, pred_h.at[pl.ds(0 * E_REG_PAD + base, nreg)])
    pltpu.sync_copy(pb1, pred_h.at[pl.ds(1 * E_REG_PAD + base, nreg)])
    pltpu.sync_copy(pb2, pred_h.at[pl.ds(2 * E_REG_PAD + base, nreg)])

    ntr = E_TR_PAD // NTILES
    base2 = wid * ntr
    pltpu.sync_copy(te0_h.at[pl.ds(base2, ntr)], te0b)
    pltpu.sync_copy(te1_h.at[pl.ds(base2, ntr)], te1b)
    pltpu.sync_copy(ytr_h.at[pl.ds(base2, ntr)], ytb)

    def _emb(g, acc):
        sl = pl.ds(g * 16, 16)
        d = plsc.load_gather(st, [te0b[sl]]) - plsc.load_gather(st, [te1b[sl]])
        pos = ytb[sl] > 0
        qv = jnp.where(pos, jnp.minimum(d, -0.5), jnp.maximum(d, 0.5))
        t = qv - d
        valid = (base2 + g * 16) < E_TRAIN
        return acc + jnp.where(valid, t * t, jnp.zeros((16,), _F32))

    acc = lax.fori_loop(0, ntr // 16, _emb, jnp.zeros((16,), _F32))
    accv[...] = acc
    pltpu.sync_copy(accv, emb_h.at[pl.ds(wid * 16, 16)])


def _run_loss(pt_flat, qt_flat, status, se0, se1, te0, te1, ytr):
    mesh = plsc.VectorSubcoreMesh(core_axis_name="c", subcore_axis_name="s", num_cores=2, num_subcores=16)
    nreg = E_REG_PAD // NTILES
    ntr = E_TR_PAD // NTILES
    f = pl.kernel(
        _loss_body,
        out_type=[
            jax.ShapeDtypeStruct((3 * E_REG_PAD,), _F32),
            jax.ShapeDtypeStruct((NTILES * 16,), _F32),
        ],
        mesh=mesh,
        compiler_params=pltpu.CompilerParams(needs_layout_passes=False),
        scratch_types=[
            pltpu.VMEM((N,), _F32),
            pltpu.VMEM((N,), _F32),
            pltpu.VMEM((N,), _F32),
            pltpu.VMEM((N,), _F32),
            pltpu.VMEM((N,), _F32),
            pltpu.VMEM((N,), _F32),
            pltpu.VMEM((N,), _F32),
            pltpu.VMEM((nreg,), jnp.int32),
            pltpu.VMEM((nreg,), jnp.int32),
            pltpu.VMEM((nreg,), _F32),
            pltpu.VMEM((nreg,), _F32),
            pltpu.VMEM((nreg,), _F32),
            pltpu.VMEM((ntr,), jnp.int32),
            pltpu.VMEM((ntr,), jnp.int32),
            pltpu.VMEM((ntr,), jnp.int32),
            pltpu.VMEM((16,), _F32),
        ],
    )
    return f(pt_flat, qt_flat, status, se0, se1, te0, te1, ytr)


def _red_body(pred_ref, tgt_ref, emb_ref, out_ref, acc):
    i = pl.program_id(0)
    p = pred_ref[...]
    t = tgt_ref[...]
    nb = p.shape[1]
    m = jnp.max(p, axis=0, keepdims=True)
    lse = jnp.log(jnp.sum(jnp.exp(p - m), axis=0, keepdims=True)) + m
    rows = lax.broadcasted_iota(jnp.int32, (3, nb), 0)
    ptgt = jnp.sum(jnp.where(rows == t, p, 0.0), axis=0, keepdims=True)
    cols = lax.broadcasted_iota(jnp.int32, (1, nb), 1) + i * nb
    bs = jnp.sum(jnp.where(cols < E_REG, lse - ptgt, 0.0))

    @pl.when(i == 0)
    def _():
        acc[0] = jnp.sum(emb_ref[...]) / float(E_TRAIN)

    acc[0] = acc[0] + bs / float(E_REG)

    @pl.when(i == pl.num_programs(0) - 1)
    def _():
        out_ref[...] = jnp.full((1, 1), acc[0], _F32)


def _run_red(predt, tgt2, emb2):
    nb = 2048
    grid = (E_REG_PAD // nb,)
    return pl.pallas_call(
        _red_body,
        grid=grid,
        in_specs=[
            pl.BlockSpec((3, nb), lambda i: (0, i)),
            pl.BlockSpec((1, nb), lambda i: (0, i)),
            pl.BlockSpec((1, NTILES * 16), lambda i: (0, 0)),
        ],
        out_specs=pl.BlockSpec((1, 1), lambda i: (0, 0)),
        out_shape=jax.ShapeDtypeStruct((1, 1), _F32),
        scratch_shapes=[pltpu.SMEM((1,), _F32)],
    )(predt, tgt2, emb2)


def kernel(X, positive_edges, negative_edges, train_edges, y_train,
           positive_labels, negative_labels, sorted_train_edges, target,
           W_in, b_in, lab_in, W_out, b_out, lab_out,
           regression_weights, regression_weight, regression_weights_out):
    wtT = W_in[:D].T
    wbT = W_in[D:].T
    b2 = b_in.reshape(OUT, 1)
    lab2 = lab_in.reshape(1, 3)
    wtopT = regression_weights[:2 * OUT].T
    wbotT = regression_weights[2 * OUT:].T
    rwoT = regression_weights_out.T

    se0 = sorted_train_edges[:, :, 0].reshape(E_REG)
    se1 = sorted_train_edges[:, :, 1].reshape(E_REG)
    se0 = jnp.pad(se0, (0, E_REG_PAD - E_REG))
    se1 = jnp.pad(se1, (0, E_REG_PAD - E_REG))
    te0 = jnp.pad(train_edges[0], (0, E_TR_PAD - E_TRAIN))
    te1 = jnp.pad(train_edges[1], (0, E_TR_PAD - E_TRAIN))
    ytr = jnp.pad(y_train, (0, E_TR_PAD - E_TRAIN), constant_values=1)
    tgt2 = jnp.pad(target, (0, E_REG_PAD - E_REG)).reshape(1, E_REG_PAD)

    yt, bt, wp, wn = _run_mm(
        X, wtT, wbT, b2, lab2,
        positive_labels.reshape(1, E), negative_labels.reshape(1, E))

    def _pack(edges, w):
        wb = jax.lax.bitcast_convert_type(w.reshape(E), jnp.int32)
        e = jnp.concatenate([edges, wb[None, :]], axis=0)
        e = e.reshape(3, N_CHUNK, K_EDGE).transpose(1, 0, 2).reshape(-1)
        return jnp.pad(e, (0, 2 * 3 * K_EDGE))

    pe = _pack(positive_edges, wp)
    ne = _pack(negative_edges, wn)

    stp, stn, cp, cn = _run_agg(yt.reshape(OUT * N), pe, ne)

    z, pt, qt, st = _run_post(
        stp.reshape(OUT, N), stn.reshape(OUT, N), bt,
        cp.reshape(1, N), cn.reshape(1, N), regression_weight,
        wtopT, wbotT, rwoT)

    predt, emb = _run_loss(
        pt.reshape(3 * N), qt.reshape(3 * N), st.reshape(N),
        se0, se1, te0, te1, ytr)

    loss = _run_red(predt.reshape(3, E_REG_PAD), tgt2,
                    emb.reshape(1, NTILES * 16))[0, 0]

    return (loss, z)

# --- scband reference (transcript-rebuilt; emitter-appended) ---
"""Pipeline reference for scband-graph-convolutional-network-47184510714472 (READ-ONLY COPY).

The authoritative reference and input builder live on the scoring server;
editing this copy changes nothing except your own understanding.
"""

import jax, jax.numpy as jnp
import numpy as np

N = 10000
D = 128
OUT = 64
NUM_LABELS = 3
E_POS = 160000
E_NEG = 160000
E_TRAIN = 100000
E_L = 50000
LAMA = 1.0
LAMB = 1.0


def _glorot(key, shape):
    fan_in, fan_out = shape[0], shape[1]
    std = (2.0 / (fan_in + fan_out)) ** 0.5
    return jax.random.normal(key, shape, jnp.float32) * std


def setup_inputs(seed: int = 0):
    key = jax.random.key(seed)
    ks = jax.random.split(key, 24)
    inp = {}
    inp["X"] = jax.random.normal(ks[0], (N, D), jnp.float32)
    inp["positive_edges"] = jax.random.randint(ks[1], (2, E_POS), 0, N)
    inp["negative_edges"] = jax.random.randint(ks[2], (2, E_NEG), 0, N)
    inp["train_edges"] = jax.random.randint(ks[3], (2, E_TRAIN), 0, N)
    inp["y_train"] = jax.random.randint(ks[4], (E_TRAIN,), 0, 2)
    inp["positive_labels"] = jax.random.randint(ks[5], (E_POS,), 0, NUM_LABELS)
    inp["negative_labels"] = jax.random.randint(ks[6], (E_NEG,), 0, NUM_LABELS)
    inp["sorted_train_edges"] = jax.random.randint(ks[7], (NUM_LABELS, E_L, 2), 0, N)
    inp["target"] = jax.random.randint(ks[8], (NUM_LABELS * E_L,), 0, NUM_LABELS)
    inp["W_in"] = _glorot(ks[9], (2 * D, OUT))
    inp["b_in"] = jnp.zeros((OUT,), jnp.float32)
    inp["lab_in"] = jax.random.normal(ks[10], (NUM_LABELS,), jnp.float32)
    inp["W_out"] = _glorot(ks[11], (2 * D, OUT))
    inp["b_out"] = jnp.zeros((OUT,), jnp.float32)
    inp["lab_out"] = jax.random.normal(ks[12], (NUM_LABELS,), jnp.float32)
    inp["regression_weights"] = _glorot(ks[13], (4 * OUT, NUM_LABELS))
    inp["regression_weight"] = _glorot(ks[14], (2 * OUT, 2 * OUT))
    inp["regression_weights_out"] = _glorot(ks[15], (2 * OUT, 1))
    return inp


def _segment_mean(data, seg, num):
    s = jax.ops.segment_sum(data, seg, num_segments=num)
    c = jax.ops.segment_sum(jnp.ones((data.shape[0],), jnp.float32), seg, num_segments=num)
    return s / jnp.clip(c, 1.0, None)[:, None]


def _agg(X, edges, labels, lab_w, W, b, incoming):
    if incoming:
        gsrc, gdst = edges[0], edges[1]
    else:
        gsrc, gdst = edges[1], edges[0]
    msg = X[gsrc] * lab_w[labels][:, None]
    m = _segment_mean(msg, gdst, X.shape[0])
    return jnp.concatenate([m, X], axis=1) @ W + b


def reference(X, positive_edges, negative_edges, train_edges, y_train,
              positive_labels, negative_labels, sorted_train_edges, target,
              W_in, b_in, lab_in, W_out, b_out, lab_out,
              regression_weights, regression_weight, regression_weights_out):
    # base layer aggregations (dropout p=0 -> identity in eval)
    h_pos_in = jnp.tanh(_agg(X, positive_edges, positive_labels, lab_in, W_in, b_in, True))
    h_pos_out = jnp.tanh(_agg(X, positive_edges, positive_labels, lab_out, W_out, b_out, False))
    h_neg_in = jnp.tanh(_agg(X, negative_edges, negative_labels, lab_in, W_in, b_in, True))
    h_neg_out = jnp.tanh(_agg(X, negative_edges, negative_labels, lab_out, W_out, b_out, False))
    h = jnp.tanh(jnp.concatenate([h_pos_in, h_pos_out, h_neg_in, h_neg_out], axis=1))
    # final node embedding z (dim = 2*OUT) via regression_weight
    z = jnp.tanh(jnp.concatenate([h_pos_in, h_neg_in], axis=1) @ regression_weight)
    # sign embedding loss
    status = jax.nn.sigmoid(z @ regression_weights_out)
    diff = (status[train_edges[0]] - status[train_edges[1]])[:, 0]
    y = jnp.where(y_train > 0, 1, -1)
    q = jnp.where(y == -1, jnp.clip(diff, 0.5, None), jnp.clip(diff, None, -0.5))
    embedding_loss = jnp.sum(jnp.square(q - diff)) / float(E_TRAIN)
    # regression loss over per-label sorted train edges
    feats = []
    for label in range(NUM_LABELS):
        edge = sorted_train_edges[label]
        feats.append(jnp.concatenate([z[edge[:, 0]], z[edge[:, 1]]], axis=1))
    features = jnp.concatenate(feats, axis=0)
    predictions = features @ regression_weights
    logp = jax.nn.log_softmax(predictions, axis=1)
    regression_loss = -jnp.mean(logp[jnp.arange(logp.shape[0]), target])
    loss = LAMA * regression_loss + LAMB * embedding_loss
    return (loss, z)


if False:  # reference __main__ guard neutralized (emitter)
    out = reference(**setup_inputs())
    print(out[0], out[1].shape)

if __name__ == "__main__":
    import jax
    _d = setup_inputs()
    print(jax.jit(kernel)(*tuple(_d.values())))

</pallas_src>

<mosaic_0001>
#map = affine_map<(d0, d1) -> (0)>
module attributes {stable_mosaic.version = 14 : i64} {
  func.func @_agg_body(%arg0: i32, %arg1: i32, %arg2: memref<640000xf32, #tpu.memory_space<hbm>>, %arg3: memref<504000xi32, #tpu.memory_space<hbm>>, %arg4: memref<504000xi32, #tpu.memory_space<hbm>>, %arg5: memref<640000xf32, #tpu.memory_space<hbm>>, %arg6: memref<640000xf32, #tpu.memory_space<hbm>>, %arg7: memref<10000xf32, #tpu.memory_space<hbm>>, %arg8: memref<10000xf32, #tpu.memory_space<hbm>>, %arg9: memref<10000xf32, #tpu.memory_space<vmem>>, %arg10: memref<10000xf32, #tpu.memory_space<vmem>>, %arg11: memref<10000xf32, #tpu.memory_space<vmem>>, %arg12: memref<10000xf32, #tpu.memory_space<vmem>>, %arg13: memref<10000xf32, #tpu.memory_space<vmem>>, %arg14: memref<10000xf32, #tpu.memory_space<vmem>>, %arg15: memref<10000xf32, #tpu.memory_space<vmem>>, %arg16: memref<10000xf32, #tpu.memory_space<vmem>>, %arg17: memref<12000xi32, #tpu.memory_space<vmem>>, %arg18: memref<12000xi32, #tpu.memory_space<vmem>>, %arg19: memref<!tpu.dma_semaphore, #tpu.memory_space<semaphore_mem>>, %arg20: memref<!tpu.dma_semaphore, #tpu.memory_space<semaphore_mem>>, %arg21: memref<!tpu.dma_semaphore, #tpu.memory_space<semaphore_mem>>) attributes {dimension_semantics = [#tpu.dimension_semantics<core_parallel>, #tpu.dimension_semantics<subcore_parallel>], iteration_bounds = array<i64: 2, 16>, scalar_prefetch = 0 : i64, scratch_operands = 13 : i64, tpu.core_type = #tpu.core_type<sc_vector_subcore>, window_params = [{transform_indices = #map}, {transform_indices = #map}, {transform_indices = #map}, {transform_indices = #map}, {transform_indices = #map}, {transform_indices = #map}, {transform_indices = #map}]} {
    %mul3A = arith.constant 2 : i32
    %mul3A_0 = arith.muli %arg1, %mul3A : i32
    %add3A = arith.addi %mul3A_0, %arg0 : i32
    %mul3A_1 = arith.constant 2 : i32
    %mul3A_2 = arith.muli %mul3A_1, %add3A : i32
    %mul3A_3 = arith.constant 10000 : i32
    %mul3A_4 = arith.muli %mul3A_2, %mul3A_3 : i32
    "tpu.region"() ({
      %run_scoped3A = tpu.sem_alloc : memref<!tpu.dma_semaphore, #tpu.memory_space<semaphore_mem>>
      %dma_start3A = tpu.memref_slice %arg2[%mul3A_4] : memref<640000xf32, #tpu.memory_space<hbm>> -> memref<10000xf32, #tpu.memory_space<hbm>>
      %dma_start3A_47 = tpu.memref_slice %arg2[%mul3A_4] : memref<640000xf32, #tpu.memory_space<hbm>> -> memref<10000xf32, #tpu.memory_space<hbm>>
      tpu.enqueue_dma source(%dma_start3A_47 : memref<10000xf32, #tpu.memory_space<hbm>>) target(%arg9 : memref<10000xf32, #tpu.memory_space<vmem>>) target_semaphore(%run_scoped3A : memref<!tpu.dma_semaphore, #tpu.memory_space<semaphore_mem>>)
      %dma_wait3A = tpu.memref_slice %arg2[%mul3A_4] : memref<640000xf32, #tpu.memory_space<hbm>> -> memref<10000xf32, #tpu.memory_space<hbm>>
      %dma_wait3A_48 = tpu.memref_slice %arg2[%mul3A_4] : memref<640000xf32, #tpu.memory_space<hbm>> -> memref<10000xf32, #tpu.memory_space<hbm>>
      tpu.wait_dma2 semaphore(%run_scoped3A : memref<!tpu.dma_semaphore, #tpu.memory_space<semaphore_mem>>) src(%dma_wait3A_48 : memref<10000xf32, #tpu.memory_space<hbm>>) dst(%arg9 : memref<10000xf32, #tpu.memory_space<vmem>>)
      tpu.yield
    }) : () -> ()
    %add3A_5 = arith.constant 1 : i32
    %add3A_6 = arith.addi %mul3A_2, %add3A_5 : i32
    %mul3A_7 = arith.constant 10000 : i32
    %mul3A_8 = arith.muli %add3A_6, %mul3A_7 : i32
    "tpu.region"() ({
      %run_scoped3A = tpu.sem_alloc : memref<!tpu.dma_semaphore, #tpu.memory_space<semaphore_mem>>
      %dma_start3A = tpu.memref_slice %arg2[%mul3A_8] : memref<640000xf32, #tpu.memory_space<hbm>> -> memref<10000xf32, #tpu.memory_space<hbm>>
      %dma_start3A_47 = tpu.memref_slice %arg2[%mul3A_8] : memref<640000xf32, #tpu.memory_space<hbm>> -> memref<10000xf32, #tpu.memory_space<hbm>>
      tpu.enqueue_dma source(%dma_start3A_47 : memref<10000xf32, #tpu.memory_space<hbm>>) target(%arg10 : memref<10000xf32, #tpu.memory_space<vmem>>) target_semaphore(%run_scoped3A : memref<!tpu.dma_semaphore, #tpu.memory_space<semaphore_mem>>)
      %dma_wait3A = tpu.memref_slice %arg2[%mul3A_8] : memref<640000xf32, #tpu.memory_space<hbm>> -> memref<10000xf32, #tpu.memory_space<hbm>>
      %dma_wait3A_48 = tpu.memref_slice %arg2[%mul3A_8] : memref<640000xf32, #tpu.memory_space<hbm>> -> memref<10000xf32, #tpu.memory_space<hbm>>
      tpu.wait_dma2 semaphore(%run_scoped3A : memref<!tpu.dma_semaphore, #tpu.memory_space<semaphore_mem>>) src(%dma_wait3A_48 : memref<10000xf32, #tpu.memory_space<hbm>>) dst(%arg10 : memref<10000xf32, #tpu.memory_space<vmem>>)
      tpu.yield
    }) : () -> ()
    %broadcast_in_dim3A = arith.constant 0.000000e+00 : f32
    %broadcast_in_dim3A_9 = vector.broadcast %broadcast_in_dim3A : f32 to vector<16xf32>
    %scan3A = arith.constant 0 : i32
    %scan3A_10 = arith.constant 0 : i32
    %scan3A_11 = arith.constant 625 : i32
    %scan3A_12 = arith.addi %scan3A_10, %scan3A_11 : i32
    %scan3A_13 = arith.constant 1 : i32
    %scan3A_14 = scf.for %scan3A_47 = %scan3A_10 to %scan3A_12 step %scan3A_13 iter_args(%scan3A_48 = %scan3A) -> (i32)  : i32 {
      %mul3A_49 = arith.constant 16 : i32
      %mul3A_50 = arith.muli %scan3A_47, %mul3A_49 : i32
      %swap3A = arith.index_cast %mul3A_50 : i32 to index
      %swap3A_51 = tpu.vector_load %arg11[%swap3A] {strides = array<i32>} : memref<10000xf32, #tpu.memory_space<vmem>>, vector<16xf32>,
      tpu.vector_store %arg11[%swap3A], %broadcast_in_dim3A_9 {strides = array<i32>} : memref<10000xf32, #tpu.memory_space<vmem>>, vector<16xf32>,
      %swap3A_52 = arith.index_cast %mul3A_50 : i32 to index
      %swap3A_53 = tpu.vector_load %arg12[%swap3A_52] {strides = array<i32>} : memref<10000xf32, #tpu.memory_space<vmem>>, vector<16xf32>,
      tpu.vector_store %arg12[%swap3A_52], %broadcast_in_dim3A_9 {strides = array<i32>} : memref<10000xf32, #tpu.memory_space<vmem>>, vector<16xf32>,
      %swap3A_54 = arith.index_cast %mul3A_50 : i32 to index
      %swap3A_55 = tpu.vector_load %arg13[%swap3A_54] {strides = array<i32>} : memref<10000xf32, #tpu.memory_space<vmem>>, vector<16xf32>,
      tpu.vector_store %arg13[%swap3A_54], %broadcast_in_dim3A_9 {strides = array<i32>} : memref<10000xf32, #tpu.memory_space<vmem>>, vector<16xf32>,
      %swap3A_56 = arith.index_cast %mul3A_50 : i32 to index
      %swap3A_57 = tpu.vector_load %arg14[%swap3A_56] {strides = array<i32>} : memref<10000xf32, #tpu.memory_space<vmem>>, vector<16xf32>,
      tpu.vector_store %arg14[%swap3A_56], %broadcast_in_dim3A_9 {strides = array<i32>} : memref<10000xf32, #tpu.memory_space<vmem>>, vector<16xf32>,
      %swap3A_58 = arith.index_cast %mul3A_50 : i32 to index
      %swap3A_59 = tpu.vector_load %arg15[%swap3A_58] {strides = array<i32>} : memref<10000xf32, #tpu.memory_space<vmem>>, vector<16xf32>,
      tpu.vector_store %arg15[%swap3A_58], %broadcast_in_dim3A_9 {strides = array<i32>} : memref<10000xf32, #tpu.memory_space<vmem>>, vector<16xf32>,
      %swap3A_60 = arith.index_cast %mul3A_50 : i32 to index
      %swap3A_61 = tpu.vector_load %arg16[%swap3A_60] {strides = array<i32>} : memref<10000xf32, #tpu.memory_space<vmem>>, vector<16xf32>,
      tpu.vector_store %arg16[%swap3A_60], %broadcast_in_dim3A_9 {strides = array<i32>} : memref<10000xf32, #tpu.memory_space<vmem>>, vector<16xf32>,
      %scan3A_62 = arith.constant 0 : i32
      scf.yield %scan3A_62 : i32
    }
    %scan3A_15 = arith.constant 625 : i32
    %broadcast_in_dim3A_16 = arith.constant 1.000000e+00 : f32
    %broadcast_in_dim3A_17 = vector.broadcast %broadcast_in_dim3A_16 : f32 to vector<16xf32>
    %eq3A = arith.constant 0 : i32
    %eq3A_18 = arith.cmpi eq, %arg0, %eq3A : i32
    %convert_element_type3A = arith.extui %eq3A_18 : i1 to i32
    %cond3A = arith.constant 0 : i32
    %cond3A_19 = arith.cmpi ne, %convert_element_type3A, %cond3A : i32
    scf.if %cond3A_19 {
      %dma_start3A = arith.constant 0 : i32
      %dma_start3A_47 = tpu.memref_slice %arg3[%dma_start3A] : memref<504000xi32, #tpu.memory_space<hbm>> -> memref<12000xi32, #tpu.memory_space<hbm>>
      %dma_start3A_48 = arith.constant 0 : i32
      %dma_start3A_49 = tpu.memref_slice %arg3[%dma_start3A_48] : memref<504000xi32, #tpu.memory_space<hbm>> -> memref<12000xi32, #tpu.memory_space<hbm>>
      tpu.enqueue_dma source(%dma_start3A_49 : memref<12000xi32, #tpu.memory_space<hbm>>) target(%arg17 : memref<12000xi32, #tpu.memory_space<vmem>>) target_semaphore(%arg19 : memref<!tpu.dma_semaphore, #tpu.memory_space<semaphore_mem>>)
      %scan3A_50 = arith.constant 0 : i32
      %scan3A_51 = arith.constant 0 : i32
      %scan3A_52 = arith.constant 20 : i32
      %scan3A_53 = arith.addi %scan3A_51, %scan3A_52 : i32
      %scan3A_54 = arith.constant 1 : i32
      %scan3A_55 = scf.for %scan3A_75 = %scan3A_51 to %scan3A_53 step %scan3A_54 iter_args(%scan3A_76 = %scan3A_50) -> (i32)  : i32 {
        %mul3A_77 = arith.constant 2 : i32
        %mul3A_78 = arith.muli %mul3A_77, %scan3A_75 : i32
        %add3A_79 = arith.constant 1 : i32
        %add3A_80 = arith.addi %mul3A_78, %add3A_79 : i32
        %mul3A_81 = arith.constant 12000 : i32
        %mul3A_82 = arith.muli %add3A_80, %mul3A_81 : i32
        %dma_start3A_83 = tpu.memref_slice %arg3[%mul3A_82] : memref<504000xi32, #tpu.memory_space<hbm>> -> memref<12000xi32, #tpu.memory_space<hbm>>
        %dma_start3A_84 = tpu.memref_slice %arg3[%mul3A_82] : memref<504000xi32, #tpu.memory_space<hbm>> -> memref<12000xi32, #tpu.memory_space<hbm>>
        tpu.enqueue_dma source(%dma_start3A_84 : memref<12000xi32, #tpu.memory_space<hbm>>) target(%arg18 : memref<12000xi32, #tpu.memory_space<vmem>>) target_semaphore(%arg20 : memref<!tpu.dma_semaphore, #tpu.memory_space<semaphore_mem>>)
        %dma_wait3A_85 = arith.constant 0 : i32
        %dma_wait3A_86 = tpu.memref_slice %arg3[%dma_wait3A_85] : memref<504000xi32, #tpu.memory_space<hbm>> -> memref<12000xi32, #tpu.memory_space<hbm>>
        %dma_wait3A_87 = arith.constant 0 : i32
        %dma_wait3A_88 = tpu.memref_slice %arg3[%dma_wait3A_87] : memref<504000xi32, #tpu.memory_space<hbm>> -> memref<12000xi32, #tpu.memory_space<hbm>>
        tpu.wait_dma2 semaphore(%arg19 : memref<!tpu.dma_semaphore, #tpu.memory_space<semaphore_mem>>) src(%dma_wait3A_88 : memref<12000xi32, #tpu.memory_space<hbm>>) dst(%arg17 : memref<12000xi32, #tpu.memory_space<vmem>>)
        %scan3A_89 = arith.constant 0 : i32
        %scan3A_90 = arith.constant 0 : i32
        %scan3A_91 = arith.constant 250 : i32
        %scan3A_92 = arith.addi %scan3A_90, %scan3A_91 : i32
        %scan3A_93 = arith.constant 1 : i32
        %scan3A_94 = scf.for %scan3A_116 = %scan3A_90 to %scan3A_92 step %scan3A_93 iter_args(%scan3A_117 = %scan3A_89) -> (i32)  : i32 {
          %mul3A_118 = arith.constant 16 : i32
          %mul3A_119 = arith.muli %scan3A_116, %mul3A_118 : i32
          %get3A = arith.index_cast %mul3A_119 : i32 to index
          %get3A_120 = tpu.vector_load %arg17[%get3A] {strides = array<i32>} : memref<12000xi32, #tpu.memory_space<vmem>>, vector<16xi32>,
          %mul3A_121 = arith.constant 16 : i32
          %mul3A_122 = arith.muli %scan3A_116, %mul3A_121 : i32
          %add3A_123 = arith.constant 4000 : i32
          %add3A_124 = arith.addi %add3A_123, %mul3A_122 : i32
          %get3A_125 = arith.index_cast %add3A_124 : i32 to index
          %get3A_126 = tpu.vector_load %arg17[%get3A_125] {strides = array<i32>} : memref<12000xi32, #tpu.memory_space<vmem>>, vector<16xi32>,
          %mul3A_127 = arith.constant 16 : i32
          %mul3A_128 = arith.muli %scan3A_116, %mul3A_127 : i32
          %add3A_129 = arith.constant 8000 : i32
          %add3A_130 = arith.addi %add3A_129, %mul3A_128 : i32
          %get3A_131 = arith.index_cast %add3A_130 : i32 to index
          %get3A_132 = tpu.vector_load %arg17[%get3A_131] {strides = array<i32>} : memref<12000xi32, #tpu.memory_space<vmem>>, vector<16xi32>,
          %bitcast3A = vector.bitcast %get3A_132 : vector<16xi32> to vector<16xf32>
          %gather3A = tpu.vector_load_idx %arg9[%get3A_120] : memref<10000xf32, #tpu.memory_space<vmem>>[vector<16xi32>], vector<16xf32>,
          %mul3A_133 = arith.mulf %gather3A, %bitcast3A : vector<16xf32>
          tpu.vector_store_idx %arg11[%get3A_126], %mul3A_133 {add = true} : memref<10000xf32, #tpu.memory_space<vmem>>[vector<16xi32>], vector<16xf32>,
          %gather3A_134 = tpu.vector_load_idx %arg10[%get3A_120] : memref<10000xf32, #tpu.memory_space<vmem>>[vector<16xi32>], vector<16xf32>,
          %mul3A_135 = arith.mulf %gather3A_134, %bitcast3A : vector<16xf32>
          tpu.vector_store_idx %arg12[%get3A_126], %mul3A_135 {add = true} : memref<10000xf32, #tpu.memory_space<vmem>>[vector<16xi32>], vector<16xf32>,
          tpu.vector_store_idx %arg15[%get3A_126], %broadcast_in_dim3A_17 {add = true} : memref<10000xf32, #tpu.memory_space<vmem>>[vector<16xi32>], vector<16xf32>,
          %scan3A_136 = arith.constant 0 : i32
          scf.yield %scan3A_136 : i32
        }
        %scan3A_95 = arith.constant 250 : i32
        %mul3A_96 = arith.constant 2 : i32
        %mul3A_97 = arith.muli %mul3A_96, %scan3A_75 : i32
        %add3A_98 = arith.constant 2 : i32
        %add3A_99 = arith.addi %mul3A_97, %add3A_98 : i32
        %mul3A_100 = arith.constant 12000 : i32
        %mul3A_101 = arith.muli %add3A_99, %mul3A_100 : i32
        %dma_start3A_102 = tpu.memref_slice %arg3[%mul3A_101] : memref<504000xi32, #tpu.memory_space<hbm>> -> memref<12000xi32, #tpu.memory_space<hbm>>
        %dma_start3A_103 = tpu.memref_slice %arg3[%mul3A_101] : memref<504000xi32, #tpu.memory_space<hbm>> -> memref<12000xi32, #tpu.memory_space<hbm>>
        tpu.enqueue_dma source(%dma_start3A_103 : memref<12000xi32, #tpu.memory_space<hbm>>) target(%arg17 : memref<12000xi32, #tpu.memory_space<vmem>>) target_semaphore(%arg19 : memref<!tpu.dma_semaphore, #tpu.memory_space<semaphore_mem>>)
        %dma_wait3A_104 = arith.constant 0 : i32
        %dma_wait3A_105 = tpu.memref_slice %arg3[%dma_wait3A_104] : memref<504000xi32, #tpu.memory_space<hbm>> -> memref<12000xi32, #tpu.memory_space<hbm>>
        %dma_wait3A_106 = arith.constant 0 : i32
        %dma_wait3A_107 = tpu.memref_slice %arg3[%dma_wait3A_106] : memref<504000xi32, #tpu.memory_space<hbm>> -> memref<12000xi32, #tpu.memory_space<hbm>>
        tpu.wait_dma2 semaphore(%arg20 : memref<!tpu.dma_semaphore, #tpu.memory_space<semaphore_mem>>) src(%dma_wait3A_107 : memref<12000xi32, #tpu.memory_space<hbm>>) dst(%arg18 : memref<12000xi32, #tpu.memory_space<vmem>>)
        %scan3A_108 = arith.constant 0 : i32
        %scan3A_109 = arith.constant 0 : i32
        %scan3A_110 = arith.constant 250 : i32
        %scan3A_111 = arith.addi %scan3A_109, %scan3A_110 : i32
        %scan3A_112 = arith.constant 1 : i32
        %scan3A_113 = scf.for %scan3A_116 = %scan3A_109 to %scan3A_111 step %scan3A_112 iter_args(%scan3A_117 = %scan3A_108) -> (i32)  : i32 {
          %mul3A_118 = arith.constant 16 : i32
          %mul3A_119 = arith.muli %scan3A_116, %mul3A_118 : i32
          %get3A = arith.index_cast %mul3A_119 : i32 to index
          %get3A_120 = tpu.vector_load %arg18[%get3A] {strides = array<i32>} : memref<12000xi32, #tpu.memory_space<vmem>>, vector<16xi32>,
          %mul3A_121 = arith.constant 16 : i32
          %mul3A_122 = arith.muli %scan3A_116, %mul3A_121 : i32
          %add3A_123 = arith.constant 4000 : i32
          %add3A_124 = arith.addi %add3A_123, %mul3A_122 : i32
          %get3A_125 = arith.index_cast %add3A_124 : i32 to index
          %get3A_126 = tpu.vector_load %arg18[%get3A_125] {strides = array<i32>} : memref<12000xi32, #tpu.memory_space<vmem>>, vector<16xi32>,
          %mul3A_127 = arith.constant 16 : i32
          %mul3A_128 = arith.muli %scan3A_116, %mul3A_127 : i32
          %add3A_129 = arith.constant 8000 : i32
          %add3A_130 = arith.addi %add3A_129, %mul3A_128 : i32
          %get3A_131 = arith.index_cast %add3A_130 : i32 to index
          %get3A_132 = tpu.vector_load %arg18[%get3A_131] {strides = array<i32>} : memref<12000xi32, #tpu.memory_space<vmem>>, vector<16xi32>,
          %bitcast3A = vector.bitcast %get3A_132 : vector<16xi32> to vector<16xf32>
          %gather3A = tpu.vector_load_idx %arg9[%get3A_120] : memref<10000xf32, #tpu.memory_space<vmem>>[vector<16xi32>], vector<16xf32>,
          %mul3A_133 = arith.mulf %gather3A, %bitcast3A : vector<16xf32>
          tpu.vector_store_idx %arg11[%get3A_126], %mul3A_133 {add = true} : memref<10000xf32, #tpu.memory_space<vmem>>[vector<16xi32>], vector<16xf32>,
          %gather3A_134 = tpu.vector_load_idx %arg10[%get3A_120] : memref<10000xf32, #tpu.memory_space<vmem>>[vector<16xi32>], vector<16xf32>,
          %mul3A_135 = arith.mulf %gather3A_134, %bitcast3A : vector<16xf32>
          tpu.vector_store_idx %arg12[%get3A_126], %mul3A_135 {add = true} : memref<10000xf32, #tpu.memory_space<vmem>>[vector<16xi32>], vector<16xf32>,
          tpu.vector_store_idx %arg15[%get3A_126], %broadcast_in_dim3A_17 {add = true} : memref<10000xf32, #tpu.memory_space<vmem>>[vector<16xi32>], vector<16xf32>,
          %scan3A_136 = arith.constant 0 : i32
          scf.yield %scan3A_136 : i32
        }
        %scan3A_114 = arith.constant 250 : i32
        %scan3A_115 = arith.constant 0 : i32
        scf.yield %scan3A_115 : i32
      }
      %scan3A_56 = arith.constant 20 : i32
      %dma_wait3A = arith.constant 0 : i32
      %dma_wait3A_57 = tpu.memref_slice %arg3[%dma_wait3A] : memref<504000xi32, #tpu.memory_space<hbm>> -> memref<12000xi32, #tpu.memory_space<hbm>>
      %dma_wait3A_58 = arith.constant 0 : i32
      %dma_wait3A_59 = tpu.memref_slice %arg3[%dma_wait3A_58] : memref<504000xi32, #tpu.memory_space<hbm>> -> memref<12000xi32, #tpu.memory_space<hbm>>
      tpu.wait_dma2 semaphore(%arg19 : memref<!tpu.dma_semaphore, #tpu.memory_space<semaphore_mem>>) src(%dma_wait3A_59 : memref<12000xi32, #tpu.memory_space<hbm>>) dst(%arg17 : memref<12000xi32, #tpu.memory_space<vmem>>)
      %dma_start3A_60 = arith.constant 0 : i32
      %dma_start3A_61 = tpu.memref_slice %arg4[%dma_start3A_60] : memref<504000xi32, #tpu.memory_space<hbm>> -> memref<12000xi32, #tpu.memory_space<hbm>>
      %dma_start3A_62 = arith.constant 0 : i32
      %dma_start3A_63 = tpu.memref_slice %arg4[%dma_start3A_62] : memref<504000xi32, #tpu.memory_space<hbm>> -> memref<12000xi32, #tpu.memory_space<hbm>>
      tpu.enqueue_dma source(%dma_start3A_63 : memref<12000xi32, #tpu.memory_space<hbm>>) target(%arg17 : memref<12000xi32, #tpu.memory_space<vmem>>) target_semaphore(%arg19 : memref<!tpu.dma_semaphore, #tpu.memory_space<semaphore_mem>>)
      %scan3A_64 = arith.constant 0 : i32
      %scan3A_65 = arith.constant 0 : i32
      %scan3A_66 = arith.constant 20 : i32
      %scan3A_67 = arith.addi %scan3A_65, %scan3A_66 : i32
      %scan3A_68 = arith.constant 1 : i32
      %scan3A_69 = scf.for %scan3A_75 = %scan3A_65 to %scan3A_67 step %scan3A_68 iter_args(%scan3A_76 = %scan3A_64) -> (i32)  : i32 {
        %mul3A_77 = arith.constant 2 : i32
        %mul3A_78 = arith.muli %mul3A_77, %scan3A_75 : i32
        %add3A_79 = arith.constant 1 : i32
        %add3A_80 = arith.addi %mul3A_78, %add3A_79 : i32
        %mul3A_81 = arith.constant 12000 : i32
        %mul3A_82 = arith.muli %add3A_80, %mul3A_81 : i32
        %dma_start3A_83 = tpu.memref_slice %arg4[%mul3A_82] : memref<504000xi32, #tpu.memory_space<hbm>> -> memref<12000xi32, #tpu.memory_space<hbm>>
        %dma_start3A_84 = tpu.memref_slice %arg4[%mul3A_82] : memref<504000xi32, #tpu.memory_space<hbm>> -> memref<12000xi32, #tpu.memory_space<hbm>>
        tpu.enqueue_dma source(%dma_start3A_84 : memref<12000xi32, #tpu.memory_space<hbm>>) target(%arg18 : memref<12000xi32, #tpu.memory_space<vmem>>) target_semaphore(%arg20 : memref<!tpu.dma_semaphore, #tpu.memory_space<semaphore_mem>>)
        %dma_wait3A_85 = arith.constant 0 : i32
        %dma_wait3A_86 = tpu.memref_slice %arg4[%dma_wait3A_85] : memref<504000xi32, #tpu.memory_space<hbm>> -> memref<12000xi32, #tpu.memory_space<hbm>>
        %dma_wait3A_87 = arith.constant 0 : i32
        %dma_wait3A_88 = tpu.memref_slice %arg4[%dma_wait3A_87] : memref<504000xi32, #tpu.memory_space<hbm>> -> memref<12000xi32, #tpu.memory_space<hbm>>
        tpu.wait_dma2 semaphore(%arg19 : memref<!tpu.dma_semaphore, #tpu.memory_space<semaphore_mem>>) src(%dma_wait3A_88 : memref<12000xi32, #tpu.memory_space<hbm>>) dst(%arg17 : memref<12000xi32, #tpu.memory_space<vmem>>)
        %scan3A_89 = arith.constant 0 : i32
        %scan3A_90 = arith.constant 0 : i32
        %scan3A_91 = arith.constant 250 : i32
        %scan3A_92 = arith.addi %scan3A_90, %scan3A_91 : i32
        %scan3A_93 = arith.constant 1 : i32
        %scan3A_94 = scf.for %scan3A_116 = %scan3A_90 to %scan3A_92 step %scan3A_93 iter_args(%scan3A_117 = %scan3A_89) -> (i32)  : i32 {
          %mul3A_118 = arith.constant 16 : i32
          %mul3A_119 = arith.muli %scan3A_116, %mul3A_118 : i32
          %get3A = arith.index_cast %mul3A_119 : i32 to index
          %get3A_120 = tpu.vector_load %arg17[%get3A] {strides = array<i32>} : memref<12000xi32, #tpu.memory_space<vmem>>, vector<16xi32>,
          %mul3A_121 = arith.constant 16 : i32
          %mul3A_122 = arith.muli %scan3A_116, %mul3A_121 : i32
          %add3A_123 = arith.constant 4000 : i32
          %add3A_124 = arith.addi %add3A_123, %mul3A_122 : i32
          %get3A_125 = arith.index_cast %add3A_124 : i32 to index
          %get3A_126 = tpu.vector_load %arg17[%get3A_125] {strides = array<i32>} : memref<12000xi32, #tpu.memory_space<vmem>>, vector<16xi32>,
          %mul3A_127 = arith.constant 16 : i32
          %mul3A_128 = arith.muli %scan3A_116, %mul3A_127 : i32
          %add3A_129 = arith.constant 8000 : i32
          %add3A_130 = arith.addi %add3A_129, %mul3A_128 : i32
          %get3A_131 = arith.index_cast %add3A_130 : i32 to index
          %get3A_132 = tpu.vector_load %arg17[%get3A_131] {strides = array<i32>} : memref<12000xi32, #tpu.memory_space<vmem>>, vector<16xi32>,
          %bitcast3A = vector.bitcast %get3A_132 : vector<16xi32> to vector<16xf32>
          %gather3A = tpu.vector_load_idx %arg9[%get3A_120] : memref<10000xf32, #tpu.memory_space<vmem>>[vector<16xi32>], vector<16xf32>,
          %mul3A_133 = arith.mulf %gather3A, %bitcast3A : vector<16xf32>
          tpu.vector_store_idx %arg13[%get3A_126], %mul3A_133 {add = true} : memref<10000xf32, #tpu.memory_space<vmem>>[vector<16xi32>], vector<16xf32>,
          %gather3A_134 = tpu.vector_load_idx %arg10[%get3A_120] : memref<10000xf32, #tpu.memory_space<vmem>>[vector<16xi32>], vector<16xf32>,
          %mul3A_135 = arith.mulf %gather3A_134, %bitcast3A : vector<16xf32>
          tpu.vector_store_idx %arg14[%get3A_126], %mul3A_135 {add = true} : memref<10000xf32, #tpu.memory_space<vmem>>[vector<16xi32>], vector<16xf32>,
          %scan3A_136 = arith.constant 0 : i32
          scf.yield %scan3A_136 : i32
        }
        %scan3A_95 = arith.constant 250 : i32
        %mul3A_96 = arith.constant 2 : i32
        %mul3A_97 = arith.muli %mul3A_96, %scan3A_75 : i32
        %add3A_98 = arith.constant 2 : i32
        %add3A_99 = arith.addi %mul3A_97, %add3A_98 : i32
        %mul3A_100 = arith.constant 12000 : i32
        %mul3A_101 = arith.muli %add3A_99, %mul3A_100 : i32
        %dma_start3A_102 = tpu.memref_slice %arg4[%mul3A_101] : memref<504000xi32, #tpu.memory_space<hbm>> -> memref<12000xi32, #tpu.memory_space<hbm>>
        %dma_start3A_103 = tpu.memref_slice %arg4[%mul3A_101] : memref<504000xi32, #tpu.memory_space<hbm>> -> memref<12000xi32, #tpu.memory_space<hbm>>
        tpu.enqueue_dma source(%dma_start3A_103 : memref<12000xi32, #tpu.memory_space<hbm>>) target(%arg17 : memref<12000xi32, #tpu.memory_space<vmem>>) target_semaphore(%arg19 : memref<!tpu.dma_semaphore, #tpu.memory_space<semaphore_mem>>)
        %dma_wait3A_104 = arith.constant 0 : i32
        %dma_wait3A_105 = tpu.memref_slice %arg4[%dma_wait3A_104] : memref<504000xi32, #tpu.memory_space<hbm>> -> memref<12000xi32, #tpu.memory_space<hbm>>
        %dma_wait3A_106 = arith.constant 0 : i32
        %dma_wait3A_107 = tpu.memref_slice %arg4[%dma_wait3A_106] : memref<504000xi32, #tpu.memory_space<hbm>> -> memref<12000xi32, #tpu.memory_space<hbm>>
        tpu.wait_dma2 semaphore(%arg20 : memref<!tpu.dma_semaphore, #tpu.memory_space<semaphore_mem>>) src(%dma_wait3A_107 : memref<12000xi32, #tpu.memory_space<hbm>>) dst(%arg18 : memref<12000xi32, #tpu.memory_space<vmem>>)
        %scan3A_108 = arith.constant 0 : i32
        %scan3A_109 = arith.constant 0 : i32
        %scan3A_110 = arith.constant 250 : i32
        %scan3A_111 = arith.addi %scan3A_109, %scan3A_110 : i32
        %scan3A_112 = arith.constant 1 : i32
        %scan3A_113 = scf.for %scan3A_116 = %scan3A_109 to %scan3A_111 step %scan3A_112 iter_args(%scan3A_117 = %scan3A_108) -> (i32)  : i32 {
          %mul3A_118 = arith.constant 16 : i32
          %mul3A_119 = arith.muli %scan3A_116, %mul3A_118 : i32
          %get3A = arith.index_cast %mul3A_119 : i32 to index
          %get3A_120 = tpu.vector_load %arg18[%get3A] {strides = array<i32>} : memref<12000xi32, #tpu.memory_space<vmem>>, vector<16xi32>,
          %mul3A_121 = arith.constant 16 : i32
          %mul3A_122 = arith.muli %scan3A_116, %mul3A_121 : i32
          %add3A_123 = arith.constant 4000 : i32
          %add3A_124 = arith.addi %add3A_123, %mul3A_122 : i32
          %get3A_125 = arith.index_cast %add3A_124 : i32 to index
          %get3A_126 = tpu.vector_load %arg18[%get3A_125] {strides = array<i32>} : memref<12000xi32, #tpu.memory_space<vmem>>, vector<16xi32>,
          %mul3A_127 = arith.constant 16 : i32
          %mul3A_128 = arith.muli %scan3A_116, %mul3A_127 : i32
          %add3A_129 = arith.constant 8000 : i32
          %add3A_130 = arith.addi %add3A_129, %mul3A_128 : i32
          %get3A_131 = arith.index_cast %add3A_130 : i32 to index
          %get3A_132 = tpu.vector_load %arg18[%get3A_131] {strides = array<i32>} : memref<12000xi32, #tpu.memory_space<vmem>>, vector<16xi32>,
          %bitcast3A = vector.bitcast %get3A_132 : vector<16xi32> to vector<16xf32>
          %gather3A = tpu.vector_load_idx %arg9[%get3A_120] : memref<10000xf32, #tpu.memory_space<vmem>>[vector<16xi32>], vector<16xf32>,
          %mul3A_133 = arith.mulf %gather3A, %bitcast3A : vector<16xf32>
          tpu.vector_store_idx %arg13[%get3A_126], %mul3A_133 {add = true} : memref<10000xf32, #tpu.memory_space<vmem>>[vector<16xi32>], vector<16xf32>,
          %gather3A_134 = tpu.vector_load_idx %arg10[%get3A_120] : memref<10000xf32, #tpu.memory_space<vmem>>[vector<16xi32>], vector<16xf32>,
          %mul3A_135 = arith.mulf %gather3A_134, %bitcast3A : vector<16xf32>
          tpu.vector_store_idx %arg14[%get3A_126], %mul3A_135 {add = true} : memref<10000xf32, #tpu.memory_space<vmem>>[vector<16xi32>], vector<16xf32>,
          %scan3A_136 = arith.constant 0 : i32
          scf.yield %scan3A_136 : i32
        }
        %scan3A_114 = arith.constant 250 : i32
        %scan3A_115 = arith.constant 0 : i32
        scf.yield %scan3A_115 : i32
      }
      %scan3A_70 = arith.constant 20 : i32
      %dma_wait3A_71 = arith.constant 0 : i32
      %dma_wait3A_72 = tpu.memref_slice %arg4[%dma_wait3A_71] : memref<504000xi32, #tpu.memory_space<hbm>> -> memref<12000xi32, #tpu.memory_space<hbm>>
      %dma_wait3A_73 = arith.constant 0 : i32
      %dma_wait3A_74 = tpu.memref_slice %arg4[%dma_wait3A_73] : memref<504000xi32, #tpu.memory_space<hbm>> -> memref<12000xi32, #tpu.memory_space<hbm>>
      tpu.wait_dma2 semaphore(%arg19 : memref<!tpu.dma_semaphore, #tpu.memory_space<semaphore_mem>>) src(%dma_wait3A_74 : memref<12000xi32, #tpu.memory_space<hbm>>) dst(%arg17 : memref<12000xi32, #tpu.memory_space<vmem>>)
    } else {
    }
    %eq3A_20 = arith.constant 1 : i32
    %eq3A_21 = arith.cmpi eq, %arg0, %eq3A_20 : i32
    %convert_element_type3A_22 = arith.extui %eq3A_21 : i1 to i32
    %cond3A_23 = arith.constant 0 : i32
    %cond3A_24 = arith.cmpi ne, %convert_element_type3A_22, %cond3A_23 : i32
    scf.if %cond3A_24 {
      %dma_start3A = arith.constant 0 : i32
      %dma_start3A_47 = tpu.memref_slice %arg3[%dma_start3A] : memref<504000xi32, #tpu.memory_space<hbm>> -> memref<12000xi32, #tpu.memory_space<hbm>>
      %dma_start3A_48 = arith.constant 0 : i32
      %dma_start3A_49 = tpu.memref_slice %arg3[%dma_start3A_48] : memref<504000xi32, #tpu.memory_space<hbm>> -> memref<12000xi32, #tpu.memory_space<hbm>>
      tpu.enqueue_dma source(%dma_start3A_49 : memref<12000xi32, #tpu.memory_space<hbm>>) target(%arg17 : memref<12000xi32, #tpu.memory_space<vmem>>) target_semaphore(%arg19 : memref<!tpu.dma_semaphore, #tpu.memory_space<semaphore_mem>>)
      %scan3A_50 = arith.constant 0 : i32
      %scan3A_51 = arith.constant 0 : i32
      %scan3A_52 = arith.constant 20 : i32
      %scan3A_53 = arith.addi %scan3A_51, %scan3A_52 : i32
      %scan3A_54 = arith.constant 1 : i32
      %scan3A_55 = scf.for %scan3A_75 = %scan3A_51 to %scan3A_53 step %scan3A_54 iter_args(%scan3A_76 = %scan3A_50) -> (i32)  : i32 {
        %mul3A_77 = arith.constant 2 : i32
        %mul3A_78 = arith.muli %mul3A_77, %scan3A_75 : i32
        %add3A_79 = arith.constant 1 : i32
        %add3A_80 = arith.addi %mul3A_78, %add3A_79 : i32
        %mul3A_81 = arith.constant 12000 : i32
        %mul3A_82 = arith.muli %add3A_80, %mul3A_81 : i32
        %dma_start3A_83 = tpu.memref_slice %arg3[%mul3A_82] : memref<504000xi32, #tpu.memory_space<hbm>> -> memref<12000xi32, #tpu.memory_space<hbm>>
        %dma_start3A_84 = tpu.memref_slice %arg3[%mul3A_82] : memref<504000xi32, #tpu.memory_space<hbm>> -> memref<12000xi32, #tpu.memory_space<hbm>>
        tpu.enqueue_dma source(%dma_start3A_84 : memref<12000xi32, #tpu.memory_space<hbm>>) target(%arg18 : memref<12000xi32, #tpu.memory_space<vmem>>) target_semaphore(%arg20 : memref<!tpu.dma_semaphore, #tpu.memory_space<semaphore_mem>>)
        %dma_wait3A_85 = arith.constant 0 : i32
        %dma_wait3A_86 = tpu.memref_slice %arg3[%dma_wait3A_85] : memref<504000xi32, #tpu.memory_space<hbm>> -> memref<12000xi32, #tpu.memory_space<hbm>>
        %dma_wait3A_87 = arith.constant 0 : i32
        %dma_wait3A_88 = tpu.memref_slice %arg3[%dma_wait3A_87] : memref<504000xi32, #tpu.memory_space<hbm>> -> memref<12000xi32, #tpu.memory_space<hbm>>
        tpu.wait_dma2 semaphore(%arg19 : memref<!tpu.dma_semaphore, #tpu.memory_space<semaphore_mem>>) src(%dma_wait3A_88 : memref<12000xi32, #tpu.memory_space<hbm>>) dst(%arg17 : memref<12000xi32, #tpu.memory_space<vmem>>)
        %scan3A_89 = arith.constant 0 : i32
        %scan3A_90 = arith.constant 0 : i32
        %scan3A_91 = arith.constant 250 : i32
        %scan3A_92 = arith.addi %scan3A_90, %scan3A_91 : i32
        %scan3A_93 = arith.constant 1 : i32
        %scan3A_94 = scf.for %scan3A_116 = %scan3A_90 to %scan3A_92 step %scan3A_93 iter_args(%scan3A_117 = %scan3A_89) -> (i32)  : i32 {
          %mul3A_118 = arith.constant 16 : i32
          %mul3A_119 = arith.muli %scan3A_116, %mul3A_118 : i32
          %get3A = arith.index_cast %mul3A_119 : i32 to index
          %get3A_120 = tpu.vector_load %arg17[%get3A] {strides = array<i32>} : memref<12000xi32, #tpu.memory_space<vmem>>, vector<16xi32>,
          %mul3A_121 = arith.constant 16 : i32
          %mul3A_122 = arith.muli %scan3A_116, %mul3A_121 : i32
          %add3A_123 = arith.constant 4000 : i32
          %add3A_124 = arith.addi %add3A_123, %mul3A_122 : i32
          %get3A_125 = arith.index_cast %add3A_124 : i32 to index
          %get3A_126 = tpu.vector_load %arg17[%get3A_125] {strides = array<i32>} : memref<12000xi32, #tpu.memory_space<vmem>>, vector<16xi32>,
          %mul3A_127 = arith.constant 16 : i32
          %mul3A_128 = arith.muli %scan3A_116, %mul3A_127 : i32
          %add3A_129 = arith.constant 8000 : i32
          %add3A_130 = arith.addi %add3A_129, %mul3A_128 : i32
          %get3A_131 = arith.index_cast %add3A_130 : i32 to index
          %get3A_132 = tpu.vector_load %arg17[%get3A_131] {strides = array<i32>} : memref<12000xi32, #tpu.memory_space<vmem>>, vector<16xi32>,
          %bitcast3A = vector.bitcast %get3A_132 : vector<16xi32> to vector<16xf32>
          %gather3A = tpu.vector_load_idx %arg9[%get3A_120] : memref<10000xf32, #tpu.memory_space<vmem>>[vector<16xi32>], vector<16xf32>,
          %mul3A_133 = arith.mulf %gather3A, %bitcast3A : vector<16xf32>
          tpu.vector_store_idx %arg11[%get3A_126], %mul3A_133 {add = true} : memref<10000xf32, #tpu.memory_space<vmem>>[vector<16xi32>], vector<16xf32>,
          %gather3A_134 = tpu.vector_load_idx %arg10[%get3A_120] : memref<10000xf32, #tpu.memory_space<vmem>>[vector<16xi32>], vector<16xf32>,
          %mul3A_135 = arith.mulf %gather3A_134, %bitcast3A : vector<16xf32>
          tpu.vector_store_idx %arg12[%get3A_126], %mul3A_135 {add = true} : memref<10000xf32, #tpu.memory_space<vmem>>[vector<16xi32>], vector<16xf32>,
          %scan3A_136 = arith.constant 0 : i32
          scf.yield %scan3A_136 : i32
        }
        %scan3A_95 = arith.constant 250 : i32
        %mul3A_96 = arith.constant 2 : i32
        %mul3A_97 = arith.muli %mul3A_96, %scan3A_75 : i32
        %add3A_98 = arith.constant 2 : i32
        %add3A_99 = arith.addi %mul3A_97, %add3A_98 : i32
        %mul3A_100 = arith.constant 12000 : i32
        %mul3A_101 = arith.muli %add3A_99, %mul3A_100 : i32
        %dma_start3A_102 = tpu.memref_slice %arg3[%mul3A_101] : memref<504000xi32, #tpu.memory_space<hbm>> -> memref<12000xi32, #tpu.memory_space<hbm>>
        %dma_start3A_103 = tpu.memref_slice %arg3[%mul3A_101] : memref<504000xi32, #tpu.memory_space<hbm>> -> memref<12000xi32, #tpu.memory_space<hbm>>
        tpu.enqueue_dma source(%dma_start3A_103 : memref<12000xi32, #tpu.memory_space<hbm>>) target(%arg17 : memref<12000xi32, #tpu.memory_space<vmem>>) target_semaphore(%arg19 : memref<!tpu.dma_semaphore, #tpu.memory_space<semaphore_mem>>)
        %dma_wait3A_104 = arith.constant 0 : i32
        %dma_wait3A_105 = tpu.memref_slice %arg3[%dma_wait3A_104] : memref<504000xi32, #tpu.memory_space<hbm>> -> memref<12000xi32, #tpu.memory_space<hbm>>
        %dma_wait3A_106 = arith.constant 0 : i32
        %dma_wait3A_107 = tpu.memref_slice %arg3[%dma_wait3A_106] : memref<504000xi32, #tpu.memory_space<hbm>> -> memref<12000xi32, #tpu.memory_space<hbm>>
        tpu.wait_dma2 semaphore(%arg20 : memref<!tpu.dma_semaphore, #tpu.memory_space<semaphore_mem>>) src(%dma_wait3A_107 : memref<12000xi32, #tpu.memory_space<hbm>>) dst(%arg18 : memref<12000xi32, #tpu.memory_space<vmem>>)
        %scan3A_108 = arith.constant 0 : i32
        %scan3A_109 = arith.constant 0 : i32
        %scan3A_110 = arith.constant 250 : i32
        %scan3A_111 = arith.addi %scan3A_109, %scan3A_110 : i32
        %scan3A_112 = arith.constant 1 : i32
        %scan3A_113 = scf.for %scan3A_116 = %scan3A_109 to %scan3A_111 step %scan3A_112 iter_args(%scan3A_117 = %scan3A_108) -> (i32)  : i32 {
          %mul3A_118 = arith.constant 16 : i32
          %mul3A_119 = arith.muli %scan3A_116, %mul3A_118 : i32
          %get3A = arith.index_cast %mul3A_119 : i32 to index
          %get3A_120 = tpu.vector_load %arg18[%get3A] {strides = array<i32>} : memref<12000xi32, #tpu.memory_space<vmem>>, vector<16xi32>,
          %mul3A_121 = arith.constant 16 : i32
          %mul3A_122 = arith.muli %scan3A_116, %mul3A_121 : i32
          %add3A_123 = arith.constant 4000 : i32
          %add3A_124 = arith.addi %add3A_123, %mul3A_122 : i32
          %get3A_125 = arith.index_cast %add3A_124 : i32 to index
          %get3A_126 = tpu.vector_load %arg18[%get3A_125] {strides = array<i32>} : memref<12000xi32, #tpu.memory_space<vmem>>, vector<16xi32>,
          %mul3A_127 = arith.constant 16 : i32
          %mul3A_128 = arith.muli %scan3A_116, %mul3A_127 : i32
          %add3A_129 = arith.constant 8000 : i32
          %add3A_130 = arith.addi %add3A_129, %mul3A_128 : i32
          %get3A_131 = arith.index_cast %add3A_130 : i32 to index
          %get3A_132 = tpu.vector_load %arg18[%get3A_131] {strides = array<i32>} : memref<12000xi32, #tpu.memory_space<vmem>>, vector<16xi32>,
          %bitcast3A = vector.bitcast %get3A_132 : vector<16xi32> to vector<16xf32>
          %gather3A = tpu.vector_load_idx %arg9[%get3A_120] : memref<10000xf32, #tpu.memory_space<vmem>>[vector<16xi32>], vector<16xf32>,
          %mul3A_133 = arith.mulf %gather3A, %bitcast3A : vector<16xf32>
          tpu.vector_store_idx %arg11[%get3A_126], %mul3A_133 {add = true} : memref<10000xf32, #tpu.memory_space<vmem>>[vector<16xi32>], vector<16xf32>,
          %gather3A_134 = tpu.vector_load_idx %arg10[%get3A_120] : memref<10000xf32, #tpu.memory_space<vmem>>[vector<16xi32>], vector<16xf32>,
          %mul3A_135 = arith.mulf %gather3A_134, %bitcast3A : vector<16xf32>
          tpu.vector_store_idx %arg12[%get3A_126], %mul3A_135 {add = true} : memref<10000xf32, #tpu.memory_space<vmem>>[vector<16xi32>], vector<16xf32>,
          %scan3A_136 = arith.constant 0 : i32
          scf.yield %scan3A_136 : i32
        }
        %scan3A_114 = arith.constant 250 : i32
        %scan3A_115 = arith.constant 0 : i32
        scf.yield %scan3A_115 : i32
      }
      %scan3A_56 = arith.constant 20 : i32
      %dma_wait3A = arith.constant 0 : i32
      %dma_wait3A_57 = tpu.memref_slice %arg3[%dma_wait3A] : memref<504000xi32, #tpu.memory_space<hbm>> -> memref<12000xi32, #tpu.memory_space<hbm>>
      %dma_wait3A_58 = arith.constant 0 : i32
      %dma_wait3A_59 = tpu.memref_slice %arg3[%dma_wait3A_58] : memref<504000xi32, #tpu.memory_space<hbm>> -> memref<12000xi32, #tpu.memory_space<hbm>>
      tpu.wait_dma2 semaphore(%arg19 : memref<!tpu.dma_semaphore, #tpu.memory_space<semaphore_mem>>) src(%dma_wait3A_59 : memref<12000xi32, #tpu.memory_space<hbm>>) dst(%arg17 : memref<12000xi32, #tpu.memory_space<vmem>>)
      %dma_start3A_60 = arith.constant 0 : i32
      %dma_start3A_61 = tpu.memref_slice %arg4[%dma_start3A_60] : memref<504000xi32, #tpu.memory_space<hbm>> -> memref<12000xi32, #tpu.memory_space<hbm>>
      %dma_start3A_62 = arith.constant 0 : i32
      %dma_start3A_63 = tpu.memref_slice %arg4[%dma_start3A_62] : memref<504000xi32, #tpu.memory_space<hbm>> -> memref<12000xi32, #tpu.memory_space<hbm>>
      tpu.enqueue_dma source(%dma_start3A_63 : memref<12000xi32, #tpu.memory_space<hbm>>) target(%arg17 : memref<12000xi32, #tpu.memory_space<vmem>>) target_semaphore(%arg19 : memref<!tpu.dma_semaphore, #tpu.memory_space<semaphore_mem>>)
      %scan3A_64 = arith.constant 0 : i32
      %scan3A_65 = arith.constant 0 : i32
      %scan3A_66 = arith.constant 20 : i32
      %scan3A_67 = arith.addi %scan3A_65, %scan3A_66 : i32
      %scan3A_68 = arith.constant 1 : i32
      %scan3A_69 = scf.for %scan3A_75 = %scan3A_65 to %scan3A_67 step %scan3A_68 iter_args(%scan3A_76 = %scan3A_64) -> (i32)  : i32 {
        %mul3A_77 = arith.constant 2 : i32
        %mul3A_78 = arith.muli %mul3A_77, %scan3A_75 : i32
        %add3A_79 = arith.constant 1 : i32
        %add3A_80 = arith.addi %mul3A_78, %add3A_79 : i32
        %mul3A_81 = arith.constant 12000 : i32
        %mul3A_82 = arith.muli %add3A_80, %mul3A_81 : i32
        %dma_start3A_83 = tpu.memref_slice %arg4[%mul3A_82] : memref<504000xi32, #tpu.memory_space<hbm>> -> memref<12000xi32, #tpu.memory_space<hbm>>
        %dma_start3A_84 = tpu.memref_slice %arg4[%mul3A_82] : memref<504000xi32, #tpu.memory_space<hbm>> -> memref<12000xi32, #tpu.memory_space<hbm>>
        tpu.enqueue_dma source(%dma_start3A_84 : memref<12000xi32, #tpu.memory_space<hbm>>) target(%arg18 : memref<12000xi32, #tpu.memory_space<vmem>>) target_semaphore(%arg20 : memref<!tpu.dma_semaphore, #tpu.memory_space<semaphore_mem>>)
        %dma_wait3A_85 = arith.constant 0 : i32
        %dma_wait3A_86 = tpu.memref_slice %arg4[%dma_wait3A_85] : memref<504000xi32, #tpu.memory_space<hbm>> -> memref<12000xi32, #tpu.memory_space<hbm>>
        %dma_wait3A_87 = arith.constant 0 : i32
        %dma_wait3A_88 = tpu.memref_slice %arg4[%dma_wait3A_87] : memref<504000xi32, #tpu.memory_space<hbm>> -> memref<12000xi32, #tpu.memory_space<hbm>>
        tpu.wait_dma2 semaphore(%arg19 : memref<!tpu.dma_semaphore, #tpu.memory_space<semaphore_mem>>) src(%dma_wait3A_88 : memref<12000xi32, #tpu.memory_space<hbm>>) dst(%arg17 : memref<12000xi32, #tpu.memory_space<vmem>>)
        %scan3A_89 = arith.constant 0 : i32
        %scan3A_90 = arith.constant 0 : i32
        %scan3A_91 = arith.constant 250 : i32
        %scan3A_92 = arith.addi %scan3A_90, %scan3A_91 : i32
        %scan3A_93 = arith.constant 1 : i32
        %scan3A_94 = scf.for %scan3A_116 = %scan3A_90 to %scan3A_92 step %scan3A_93 iter_args(%scan3A_117 = %scan3A_89) -> (i32)  : i32 {
          %mul3A_118 = arith.constant 16 : i32
          %mul3A_119 = arith.muli %scan3A_116, %mul3A_118 : i32
          %get3A = arith.index_cast %mul3A_119 : i32 to index
          %get3A_120 = tpu.vector_load %arg17[%get3A] {strides = array<i32>} : memref<12000xi32, #tpu.memory_space<vmem>>, vector<16xi32>,
          %mul3A_121 = arith.constant 16 : i32
          %mul3A_122 = arith.muli %scan3A_116, %mul3A_121 : i32
          %add3A_123 = arith.constant 4000 : i32
          %add3A_124 = arith.addi %add3A_123, %mul3A_122 : i32
          %get3A_125 = arith.index_cast %add3A_124 : i32 to index
          %get3A_126 = tpu.vector_load %arg17[%get3A_125] {strides = array<i32>} : memref<12000xi32, #tpu.memory_space<vmem>>, vector<16xi32>,
          %mul3A_127 = arith.constant 16 : i32
          %mul3A_128 = arith.muli %scan3A_116, %mul3A_127 : i32
          %add3A_129 = arith.constant 8000 : i32
          %add3A_130 = arith.addi %add3A_129, %mul3A_128 : i32
          %get3A_131 = arith.index_cast %add3A_130 : i32 to index
          %get3A_132 = tpu.vector_load %arg17[%get3A_131] {strides = array<i32>} : memref<12000xi32, #tpu.memory_space<vmem>>, vector<16xi32>,
          %bitcast3A = vector.bitcast %get3A_132 : vector<16xi32> to vector<16xf32>
          %gather3A = tpu.vector_load_idx %arg9[%get3A_120] : memref<10000xf32, #tpu.memory_space<vmem>>[vector<16xi32>], vector<16xf32>,
          %mul3A_133 = arith.mulf %gather3A, %bitcast3A : vector<16xf32>
          tpu.vector_store_idx %arg13[%get3A_126], %mul3A_133 {add = true} : memref<10000xf32, #tpu.memory_space<vmem>>[vector<16xi32>], vector<16xf32>,
          %gather3A_134 = tpu.vector_load_idx %arg10[%get3A_120] : memref<10000xf32, #tpu.memory_space<vmem>>[vector<16xi32>], vector<16xf32>,
          %mul3A_135 = arith.mulf %gather3A_134, %bitcast3A : vector<16xf32>
          tpu.vector_store_idx %arg14[%get3A_126], %mul3A_135 {add = true} : memref<10000xf32, #tpu.memory_space<vmem>>[vector<16xi32>], vector<16xf32>,
          tpu.vector_store_idx %arg16[%get3A_126], %broadcast_in_dim3A_17 {add = true} : memref<10000xf32, #tpu.memory_space<vmem>>[vector<16xi32>], vector<16xf32>,
          %scan3A_136 = arith.constant 0 : i32
          scf.yield %scan3A_136 : i32
        }
        %scan3A_95 = arith.constant 250 : i32
        %mul3A_96 = arith.constant 2 : i32
        %mul3A_97 = arith.muli %mul3A_96, %scan3A_75 : i32
        %add3A_98 = arith.constant 2 : i32
        %add3A_99 = arith.addi %mul3A_97, %add3A_98 : i32
        %mul3A_100 = arith.constant 12000 : i32
        %mul3A_101 = arith.muli %add3A_99, %mul3A_100 : i32
        %dma_start3A_102 = tpu.memref_slice %arg4[%mul3A_101] : memref<504000xi32, #tpu.memory_space<hbm>> -> memref<12000xi32, #tpu.memory_space<hbm>>
        %dma_start3A_103 = tpu.memref_slice %arg4[%mul3A_101] : memref<504000xi32, #tpu.memory_space<hbm>> -> memref<12000xi32, #tpu.memory_space<hbm>>
        tpu.enqueue_dma source(%dma_start3A_103 : memref<12000xi32, #tpu.memory_space<hbm>>) target(%arg17 : memref<12000xi32, #tpu.memory_space<vmem>>) target_semaphore(%arg19 : memref<!tpu.dma_semaphore, #tpu.memory_space<semaphore_mem>>)
        %dma_wait3A_104 = arith.constant 0 : i32
        %dma_wait3A_105 = tpu.memref_slice %arg4[%dma_wait3A_104] : memref<504000xi32, #tpu.memory_space<hbm>> -> memref<12000xi32, #tpu.memory_space<hbm>>
        %dma_wait3A_106 = arith.constant 0 : i32
        %dma_wait3A_107 = tpu.memref_slice %arg4[%dma_wait3A_106] : memref<504000xi32, #tpu.memory_space<hbm>> -> memref<12000xi32, #tpu.memory_space<hbm>>
        tpu.wait_dma2 semaphore(%arg20 : memref<!tpu.dma_semaphore, #tpu.memory_space<semaphore_mem>>) src(%dma_wait3A_107 : memref<12000xi32, #tpu.memory_space<hbm>>) dst(%arg18 : memref<12000xi32, #tpu.memory_space<vmem>>)
        %scan3A_108 = arith.constant 0 : i32
        %scan3A_109 = arith.constant 0 : i32
        %scan3A_110 = arith.constant 250 : i32
        %scan3A_111 = arith.addi %scan3A_109, %scan3A_110 : i32
        %scan3A_112 = arith.constant 1 : i32
        %scan3A_113 = scf.for %scan3A_116 = %scan3A_109 to %scan3A_111 step %scan3A_112 iter_args(%scan3A_117 = %scan3A_108) -> (i32)  : i32 {
          %mul3A_118 = arith.constant 16 : i32
          %mul3A_119 = arith.muli %scan3A_116, %mul3A_118 : i32
          %get3A = arith.index_cast %mul3A_119 : i32 to index
          %get3A_120 = tpu.vector_load %arg18[%get3A] {strides = array<i32>} : memref<12000xi32, #tpu.memory_space<vmem>>, vector<16xi32>,
          %mul3A_121 = arith.constant 16 : i32
          %mul3A_122 = arith.muli %scan3A_116, %mul3A_121 : i32
          %add3A_123 = arith.constant 4000 : i32
          %add3A_124 = arith.addi %add3A_123, %mul3A_122 : i32
          %get3A_125 = arith.index_cast %add3A_124 : i32 to index
          %get3A_126 = tpu.vector_load %arg18[%get3A_125] {strides = array<i32>} : memref<12000xi32, #tpu.memory_space<vmem>>, vector<16xi32>,
          %mul3A_127 = arith.constant 16 : i32
          %mul3A_128 = arith.muli %scan3A_116, %mul3A_127 : i32
          %add3A_129 = arith.constant 8000 : i32
          %add3A_130 = arith.addi %add3A_129, %mul3A_128 : i32
          %get3A_131 = arith.index_cast %add3A_130 : i32 to index
          %get3A_132 = tpu.vector_load %arg18[%get3A_131] {strides = array<i32>} : memref<12000xi32, #tpu.memory_space<vmem>>, vector<16xi32>,
          %bitcast3A = vector.bitcast %get3A_132 : vector<16xi32> to vector<16xf32>
          %gather3A = tpu.vector_load_idx %arg9[%get3A_120] : memref<10000xf32, #tpu.memory_space<vmem>>[vector<16xi32>], vector<16xf32>,
          %mul3A_133 = arith.mulf %gather3A, %bitcast3A : vector<16xf32>
          tpu.vector_store_idx %arg13[%get3A_126], %mul3A_133 {add = true} : memref<10000xf32, #tpu.memory_space<vmem>>[vector<16xi32>], vector<16xf32>,
          %gather3A_134 = tpu.vector_load_idx %arg10[%get3A_120] : memref<10000xf32, #tpu.memory_space<vmem>>[vector<16xi32>], vector<16xf32>,
          %mul3A_135 = arith.mulf %gather3A_134, %bitcast3A : vector<16xf32>
          tpu.vector_store_idx %arg14[%get3A_126], %mul3A_135 {add = true} : memref<10000xf32, #tpu.memory_space<vmem>>[vector<16xi32>], vector<16xf32>,
          tpu.vector_store_idx %arg16[%get3A_126], %broadcast_in_dim3A_17 {add = true} : memref<10000xf32, #tpu.memory_space<vmem>>[vector<16xi32>], vector<16xf32>,
          %scan3A_136 = arith.constant 0 : i32
          scf.yield %scan3A_136 : i32
        }
        %scan3A_114 = arith.constant 250 : i32
        %scan3A_115 = arith.constant 0 : i32
        scf.yield %scan3A_115 : i32
      }
      %scan3A_70 = arith.constant 20 : i32
      %dma_wait3A_71 = arith.constant 0 : i32
      %dma_wait3A_72 = tpu.memref_slice %arg4[%dma_wait3A_71] : memref<504000xi32, #tpu.memory_space<hbm>> -> memref<12000xi32, #tpu.memory_space<hbm>>
      %dma_wait3A_73 = arith.constant 0 : i32
      %dma_wait3A_74 = tpu.memref_slice %arg4[%dma_wait3A_73] : memref<504000xi32, #tpu.memory_space<hbm>> -> memref<12000xi32, #tpu.memory_space<hbm>>
      tpu.wait_dma2 semaphore(%arg19 : memref<!tpu.dma_semaphore, #tpu.memory_space<semaphore_mem>>) src(%dma_wait3A_74 : memref<12000xi32, #tpu.memory_space<hbm>>) dst(%arg17 : memref<12000xi32, #tpu.memory_space<vmem>>)
    } else {
    }
    %mul3A_25 = arith.constant 10000 : i32
    %mul3A_26 = arith.muli %mul3A_2, %mul3A_25 : i32
    "tpu.region"() ({
      %run_scoped3A = tpu.sem_alloc : memref<!tpu.dma_semaphore, #tpu.memory_space<semaphore_mem>>
      %dma_start3A = tpu.memref_slice %arg5[%mul3A_26] : memref<640000xf32, #tpu.memory_space<hbm>> -> memref<10000xf32, #tpu.memory_space<hbm>>
      %dma_start3A_47 = tpu.memref_slice %arg5[%mul3A_26] : memref<640000xf32, #tpu.memory_space<hbm>> -> memref<10000xf32, #tpu.memory_space<hbm>>
      tpu.enqueue_dma source(%arg11 : memref<10000xf32, #tpu.memory_space<vmem>>) target(%dma_start3A_47 : memref<10000xf32, #tpu.memory_space<hbm>>) target_semaphore(%run_scoped3A : memref<!tpu.dma_semaphore, #tpu.memory_space<semaphore_mem>>)
      %dma_wait3A = tpu.memref_slice %arg5[%mul3A_26] : memref<640000xf32, #tpu.memory_space<hbm>> -> memref<10000xf32, #tpu.memory_space<hbm>>
      %dma_wait3A_48 = tpu.memref_slice %arg5[%mul3A_26] : memref<640000xf32, #tpu.memory_space<hbm>> -> memref<10000xf32, #tpu.memory_space<hbm>>
      tpu.wait_dma2 semaphore(%run_scoped3A : memref<!tpu.dma_semaphore, #tpu.memory_space<semaphore_mem>>) src(%arg11 : memref<10000xf32, #tpu.memory_space<vmem>>) dst(%dma_wait3A_48 : memref<10000xf32, #tpu.memory_space<hbm>>)
      tpu.yield
    }) : () -> ()
    %add3A_27 = arith.constant 1 : i32
    %add3A_28 = arith.addi %mul3A_2, %add3A_27 : i32
    %mul3A_29 = arith.constant 10000 : i32
    %mul3A_30 = arith.muli %add3A_28, %mul3A_29 : i32
    "tpu.region"() ({
      %run_scoped3A = tpu.sem_alloc : memref<!tpu.dma_semaphore, #tpu.memory_space<semaphore_mem>>
      %dma_start3A = tpu.memref_slice %arg5[%mul3A_30] : memref<640000xf32, #tpu.memory_space<hbm>> -> memref<10000xf32, #tpu.memory_space<hbm>>
      %dma_start3A_47 = tpu.memref_slice %arg5[%mul3A_30] : memref<640000xf32, #tpu.memory_space<hbm>> -> memref<10000xf32, #tpu.memory_space<hbm>>
      tpu.enqueue_dma source(%arg12 : memref<10000xf32, #tpu.memory_space<vmem>>) target(%dma_start3A_47 : memref<10000xf32, #tpu.memory_space<hbm>>) target_semaphore(%run_scoped3A : memref<!tpu.dma_semaphore, #tpu.memory_space<semaphore_mem>>)
      %dma_wait3A = tpu.memref_slice %arg5[%mul3A_30] : memref<640000xf32, #tpu.memory_space<hbm>> -> memref<10000xf32, #tpu.memory_space<hbm>>
      %dma_wait3A_48 = tpu.memref_slice %arg5[%mul3A_30] : memref<640000xf32, #tpu.memory_space<hbm>> -> memref<10000xf32, #tpu.memory_space<hbm>>
      tpu.wait_dma2 semaphore(%run_scoped3A : memref<!tpu.dma_semaphore, #tpu.memory_space<semaphore_mem>>) src(%arg12 : memref<10000xf32, #tpu.memory_space<vmem>>) dst(%dma_wait3A_48 : memref<10000xf32, #tpu.memory_space<hbm>>)
      tpu.yield
    }) : () -> ()
    %mul3A_31 = arith.constant 10000 : i32
    %mul3A_32 = arith.muli %mul3A_2, %mul3A_31 : i32
    "tpu.region"() ({
      %run_scoped3A = tpu.sem_alloc : memref<!tpu.dma_semaphore, #tpu.memory_space<semaphore_mem>>
      %dma_start3A = tpu.memref_slice %arg6[%mul3A_32] : memref<640000xf32, #tpu.memory_space<hbm>> -> memref<10000xf32, #tpu.memory_space<hbm>>
      %dma_start3A_47 = tpu.memref_slice %arg6[%mul3A_32] : memref<640000xf32, #tpu.memory_space<hbm>> -> memref<10000xf32, #tpu.memory_space<hbm>>
      tpu.enqueue_dma source(%arg13 : memref<10000xf32, #tpu.memory_space<vmem>>) target(%dma_start3A_47 : memref<10000xf32, #tpu.memory_space<hbm>>) target_semaphore(%run_scoped3A : memref<!tpu.dma_semaphore, #tpu.memory_space<semaphore_mem>>)
      %dma_wait3A = tpu.memref_slice %arg6[%mul3A_32] : memref<640000xf32, #tpu.memory_space<hbm>> -> memref<10000xf32, #tpu.memory_space<hbm>>
      %dma_wait3A_48 = tpu.memref_slice %arg6[%mul3A_32] : memref<640000xf32, #tpu.memory_space<hbm>> -> memref<10000xf32, #tpu.memory_space<hbm>>
      tpu.wait_dma2 semaphore(%run_scoped3A : memref<!tpu.dma_semaphore, #tpu.memory_space<semaphore_mem>>) src(%arg13 : memref<10000xf32, #tpu.memory_space<vmem>>) dst(%dma_wait3A_48 : memref<10000xf32, #tpu.memory_space<hbm>>)
      tpu.yield
    }) : () -> ()
    %add3A_33 = arith.constant 1 : i32
    %add3A_34 = arith.addi %mul3A_2, %add3A_33 : i32
    %mul3A_35 = arith.constant 10000 : i32
    %mul3A_36 = arith.muli %add3A_34, %mul3A_35 : i32
    "tpu.region"() ({
      %run_scoped3A = tpu.sem_alloc : memref<!tpu.dma_semaphore, #tpu.memory_space<semaphore_mem>>
      %dma_start3A = tpu.memref_slice %arg6[%mul3A_36] : memref<640000xf32, #tpu.memory_space<hbm>> -> memref<10000xf32, #tpu.memory_space<hbm>>
      %dma_start3A_47 = tpu.memref_slice %arg6[%mul3A_36] : memref<640000xf32, #tpu.memory_space<hbm>> -> memref<10000xf32, #tpu.memory_space<hbm>>
      tpu.enqueue_dma source(%arg14 : memref<10000xf32, #tpu.memory_space<vmem>>) target(%dma_start3A_47 : memref<10000xf32, #tpu.memory_space<hbm>>) target_semaphore(%run_scoped3A : memref<!tpu.dma_semaphore, #tpu.memory_space<semaphore_mem>>)
      %dma_wait3A = tpu.memref_slice %arg6[%mul3A_36] : memref<640000xf32, #tpu.memory_space<hbm>> -> memref<10000xf32, #tpu.memory_space<hbm>>
      %dma_wait3A_48 = tpu.memref_slice %arg6[%mul3A_36] : memref<640000xf32, #tpu.memory_space<hbm>> -> memref<10000xf32, #tpu.memory_space<hbm>>
      tpu.wait_dma2 semaphore(%run_scoped3A : memref<!tpu.dma_semaphore, #tpu.memory_space<semaphore_mem>>) src(%arg14 : memref<10000xf32, #tpu.memory_space<vmem>>) dst(%dma_wait3A_48 : memref<10000xf32, #tpu.memory_space<hbm>>)
      tpu.yield
    }) : () -> ()
    %eq3A_37 = arith.constant 0 : i32
    %eq3A_38 = arith.cmpi eq, %add3A, %eq3A_37 : i32
    %convert_element_type3A_39 = arith.extui %eq3A_38 : i1 to i32
    %cond3A_40 = arith.constant 0 : i32
    %cond3A_41 = arith.cmpi ne, %convert_element_type3A_39, %cond3A_40 : i32
    scf.if %cond3A_41 {
      "tpu.region"() ({
        %run_scoped3A = tpu.sem_alloc : memref<!tpu.dma_semaphore, #tpu.memory_space<semaphore_mem>>
        tpu.enqueue_dma source(%arg15 : memref<10000xf32, #tpu.memory_space<vmem>>) target(%arg7 : memref<10000xf32, #tpu.memory_space<hbm>>) target_semaphore(%run_scoped3A : memref<!tpu.dma_semaphore, #tpu.memory_space<semaphore_mem>>)
        tpu.wait_dma2 semaphore(%run_scoped3A : memref<!tpu.dma_semaphore, #tpu.memory_space<semaphore_mem>>) src(%arg15 : memref<10000xf32, #tpu.memory_space<vmem>>) dst(%arg7 : memref<10000xf32, #tpu.memory_space<hbm>>)
        tpu.yield
      }) : () -> ()
    } else {
    }
    %eq3A_42 = arith.constant 1 : i32
    %eq3A_43 = arith.cmpi eq, %add3A, %eq3A_42 : i32
    %convert_element_type3A_44 = arith.extui %eq3A_43 : i1 to i32
    %cond3A_45 = arith.constant 0 : i32
    %cond3A_46 = arith.cmpi ne, %convert_element_type3A_44, %cond3A_45 : i32
    scf.if %cond3A_46 {
      "tpu.region"() ({
        %run_scoped3A = tpu.sem_alloc : memref<!tpu.dma_semaphore, #tpu.memory_space<semaphore_mem>>
        tpu.enqueue_dma source(%arg16 : memref<10000xf32, #tpu.memory_space<vmem>>) target(%arg8 : memref<10000xf32, #tpu.memory_space<hbm>>) target_semaphore(%run_scoped3A : memref<!tpu.dma_semaphore, #tpu.memory_space<semaphore_mem>>)
        tpu.wait_dma2 semaphore(%run_scoped3A : memref<!tpu.dma_semaphore, #tpu.memory_space<semaphore_mem>>) src(%arg16 : memref<10000xf32, #tpu.memory_space<vmem>>) dst(%arg8 : memref<10000xf32, #tpu.memory_space<hbm>>)
        tpu.yield
      }) : () -> ()
    } else {
    }
    return
  }
}

#map = affine_map<(d0, d1) -> (0)>
module attributes {stable_mosaic.version = 14 : i64} {
  func.func @_loss_body(%arg0: i32, %arg1: i32, %arg2: memref<30000xf32, #tpu.memory_space<hbm>>, %arg3: memref<30000xf32, #tpu.memory_space<hbm>>, %arg4: memref<10000xf32, #tpu.memory_space<hbm>>, %arg5: memref<153600xi32, #tpu.memory_space<hbm>>, %arg6: memref<153600xi32, #tpu.memory_space<hbm>>, %arg7: memref<102400xi32, #tpu.memory_space<hbm>>, %arg8: memref<102400xi32, #tpu.memory_space<hbm>>, %arg9: memref<102400xi32, #tpu.memory_space<hbm>>, %arg10: memref<460800xf32, #tpu.memory_space<hbm>>, %arg11: memref<512xf32, #tpu.memory_space<hbm>>, %arg12: memref<10000xf32, #tpu.memory_space<vmem>>, %arg13: memref<10000xf32, #tpu.memory_space<vmem>>, %arg14: memref<10000xf32, #tpu.memory_space<vmem>>, %arg15: memref<10000xf32, #tpu.memory_space<vmem>>, %arg16: memref<10000xf32, #tpu.memory_space<vmem>>, %arg17: memref<10000xf32, #tpu.memory_space<vmem>>, %arg18: memref<10000xf32, #tpu.memory_space<vmem>>, %arg19: memref<4800xi32, #tpu.memory_space<vmem>>, %arg20: memref<4800xi32, #tpu.memory_space<vmem>>, %arg21: memref<4800xf32, #tpu.memory_space<vmem>>, %arg22: memref<4800xf32, #tpu.memory_space<vmem>>, %arg23: memref<4800xf32, #tpu.memory_space<vmem>>, %arg24: memref<3200xi32, #tpu.memory_space<vmem>>, %arg25: memref<3200xi32, #tpu.memory_space<vmem>>, %arg26: memref<3200xi32, #tpu.memory_space<vmem>>, %arg27: memref<16xf32, #tpu.memory_space<vmem>>) attributes {dimension_semantics = [#tpu.dimension_semantics<core_parallel>, #tpu.dimension_semantics<subcore_parallel>], iteration_bounds = array<i64: 2, 16>, scalar_prefetch = 0 : i64, scratch_operands = 16 : i64, tpu.core_type = #tpu.core_type<sc_vector_subcore>, window_params = [{transform_indices = #map}, {transform_indices = #map}, {transform_indices = #map}, {transform_indices = #map}, {transform_indices = #map}, {transform_indices = #map}, {transform_indices = #map}, {transform_indices = #map}, {transform_indices = #map}, {transform_indices = #map}]} {
    %mul3A = arith.constant 2 : i32
    %mul3A_0 = arith.muli %arg1, %mul3A : i32
    %add3A = arith.addi %mul3A_0, %arg0 : i32
    "tpu.region"() ({
      %run_scoped3A = tpu.sem_alloc : memref<!tpu.dma_semaphore, #tpu.memory_space<semaphore_mem>>
      %dma_start3A = arith.constant 0 : i32
      %dma_start3A_27 = tpu.memref_slice %arg2[%dma_start3A] : memref<30000xf32, #tpu.memory_space<hbm>> -> memref<10000xf32, #tpu.memory_space<hbm>>
      %dma_start3A_28 = arith.constant 0 : i32
      %dma_start3A_29 = tpu.memref_slice %arg2[%dma_start3A_28] : memref<30000xf32, #tpu.memory_space<hbm>> -> memref<10000xf32, #tpu.memory_space<hbm>>
      tpu.enqueue_dma source(%dma_start3A_29 : memref<10000xf32, #tpu.memory_space<hbm>>) target(%arg12 : memref<10000xf32, #tpu.memory_space<vmem>>) target_semaphore(%run_scoped3A : memref<!tpu.dma_semaphore, #tpu.memory_space<semaphore_mem>>)
      %dma_wait3A = arith.constant 0 : i32
      %dma_wait3A_30 = tpu.memref_slice %arg2[%dma_wait3A] : memref<30000xf32, #tpu.memory_space<hbm>> -> memref<10000xf32, #tpu.memory_space<hbm>>
      %dma_wait3A_31 = arith.constant 0 : i32
      %dma_wait3A_32 = tpu.memref_slice %arg2[%dma_wait3A_31] : memref<30000xf32, #tpu.memory_space<hbm>> -> memref<10000xf32, #tpu.memory_space<hbm>>
      tpu.wait_dma2 semaphore(%run_scoped3A : memref<!tpu.dma_semaphore, #tpu.memory_space<semaphore_mem>>) src(%dma_wait3A_32 : memref<10000xf32, #tpu.memory_space<hbm>>) dst(%arg12 : memref<10000xf32, #tpu.memory_space<vmem>>)
      tpu.yield
    }) : () -> ()
    "tpu.region"() ({
      %run_scoped3A = tpu.sem_alloc : memref<!tpu.dma_semaphore, #tpu.memory_space<semaphore_mem>>
      %dma_start3A = arith.constant 10000 : i32
      %dma_start3A_27 = tpu.memref_slice %arg2[%dma_start3A] : memref<30000xf32, #tpu.memory_space<hbm>> -> memref<10000xf32, #tpu.memory_space<hbm>>
      %dma_start3A_28 = arith.constant 10000 : i32
      %dma_start3A_29 = tpu.memref_slice %arg2[%dma_start3A_28] : memref<30000xf32, #tpu.memory_space<hbm>> -> memref<10000xf32, #tpu.memory_space<hbm>>
      tpu.enqueue_dma source(%dma_start3A_29 : memref<10000xf32, #tpu.memory_space<hbm>>) target(%arg13 : memref<10000xf32, #tpu.memory_space<vmem>>) target_semaphore(%run_scoped3A : memref<!tpu.dma_semaphore, #tpu.memory_space<semaphore_mem>>)
      %dma_wait3A = arith.constant 10000 : i32
      %dma_wait3A_30 = tpu.memref_slice %arg2[%dma_wait3A] : memref<30000xf32, #tpu.memory_space<hbm>> -> memref<10000xf32, #tpu.memory_space<hbm>>
      %dma_wait3A_31 = arith.constant 10000 : i32
      %dma_wait3A_32 = tpu.memref_slice %arg2[%dma_wait3A_31] : memref<30000xf32, #tpu.memory_space<hbm>> -> memref<10000xf32, #tpu.memory_space<hbm>>
      tpu.wait_dma2 semaphore(%run_scoped3A : memref<!tpu.dma_semaphore, #tpu.memory_space<semaphore_mem>>) src(%dma_wait3A_32 : memref<10000xf32, #tpu.memory_space<hbm>>) dst(%arg13 : memref<10000xf32, #tpu.memory_space<vmem>>)
      tpu.yield
    }) : () -> ()
    "tpu.region"() ({
      %run_scoped3A = tpu.sem_alloc : memref<!tpu.dma_semaphore, #tpu.memory_space<semaphore_mem>>
      %dma_start3A = arith.constant 20000 : i32
      %dma_start3A_27 = tpu.memref_slice %arg2[%dma_start3A] : memref<30000xf32, #tpu.memory_space<hbm>> -> memref<10000xf32, #tpu.memory_space<hbm>>
      %dma_start3A_28 = arith.constant 20000 : i32
      %dma_start3A_29 = tpu.memref_slice %arg2[%dma_start3A_28] : memref<30000xf32, #tpu.memory_space<hbm>> -> memref<10000xf32, #tpu.memory_space<hbm>>
      tpu.enqueue_dma source(%dma_start3A_29 : memref<10000xf32, #tpu.memory_space<hbm>>) target(%arg14 : memref<10000xf32, #tpu.memory_space<vmem>>) target_semaphore(%run_scoped3A : memref<!tpu.dma_semaphore, #tpu.memory_space<semaphore_mem>>)
      %dma_wait3A = arith.constant 20000 : i32
      %dma_wait3A_30 = tpu.memref_slice %arg2[%dma_wait3A] : memref<30000xf32, #tpu.memory_space<hbm>> -> memref<10000xf32, #tpu.memory_space<hbm>>
      %dma_wait3A_31 = arith.constant 20000 : i32
      %dma_wait3A_32 = tpu.memref_slice %arg2[%dma_wait3A_31] : memref<30000xf32, #tpu.memory_space<hbm>> -> memref<10000xf32, #tpu.memory_space<hbm>>
      tpu.wait_dma2 semaphore(%run_scoped3A : memref<!tpu.dma_semaphore, #tpu.memory_space<semaphore_mem>>) src(%dma_wait3A_32 : memref<10000xf32, #tpu.memory_space<hbm>>) dst(%arg14 : memref<10000xf32, #tpu.memory_space<vmem>>)
      tpu.yield
    }) : () -> ()
    "tpu.region"() ({
      %run_scoped3A = tpu.sem_alloc : memref<!tpu.dma_semaphore, #tpu.memory_space<semaphore_mem>>
      %dma_start3A = arith.constant 0 : i32
      %dma_start3A_27 = tpu.memref_slice %arg3[%dma_start3A] : memref<30000xf32, #tpu.memory_space<hbm>> -> memref<10000xf32, #tpu.memory_space<hbm>>
      %dma_start3A_28 = arith.constant 0 : i32
      %dma_start3A_29 = tpu.memref_slice %arg3[%dma_start3A_28] : memref<30000xf32, #tpu.memory_space<hbm>> -> memref<10000xf32, #tpu.memory_space<hbm>>
      tpu.enqueue_dma source(%dma_start3A_29 : memref<10000xf32, #tpu.memory_space<hbm>>) target(%arg15 : memref<10000xf32, #tpu.memory_space<vmem>>) target_semaphore(%run_scoped3A : memref<!tpu.dma_semaphore, #tpu.memory_space<semaphore_mem>>)
      %dma_wait3A = arith.constant 0 : i32
      %dma_wait3A_30 = tpu.memref_slice %arg3[%dma_wait3A] : memref<30000xf32, #tpu.memory_space<hbm>> -> memref<10000xf32, #tpu.memory_space<hbm>>
      %dma_wait3A_31 = arith.constant 0 : i32
      %dma_wait3A_32 = tpu.memref_slice %arg3[%dma_wait3A_31] : memref<30000xf32, #tpu.memory_space<hbm>> -> memref<10000xf32, #tpu.memory_space<hbm>>
      tpu.wait_dma2 semaphore(%run_scoped3A : memref<!tpu.dma_semaphore, #tpu.memory_space<semaphore_mem>>) src(%dma_wait3A_32 : memref<10000xf32, #tpu.memory_space<hbm>>) dst(%arg15 : memref<10000xf32, #tpu.memory_space<vmem>>)
      tpu.yield
    }) : () -> ()
    "tpu.region"() ({
      %run_scoped3A = tpu.sem_alloc : memref<!tpu.dma_semaphore, #tpu.memory_space<semaphore_mem>>
      %dma_start3A = arith.constant 10000 : i32
      %dma_start3A_27 = tpu.memref_slice %arg3[%dma_start3A] : memref<30000xf32, #tpu.memory_space<hbm>> -> memref<10000xf32, #tpu.memory_space<hbm>>
      %dma_start3A_28 = arith.constant 10000 : i32
      %dma_start3A_29 = tpu.memref_slice %arg3[%dma_start3A_28] : memref<30000xf32, #tpu.memory_space<hbm>> -> memref<10000xf32, #tpu.memory_space<hbm>>
      tpu.enqueue_dma source(%dma_start3A_29 : memref<10000xf32, #tpu.memory_space<hbm>>) target(%arg16 : memref<10000xf32, #tpu.memory_space<vmem>>) target_semaphore(%run_scoped3A : memref<!tpu.dma_semaphore, #tpu.memory_space<semaphore_mem>>)
      %dma_wait3A = arith.constant 10000 : i32
      %dma_wait3A_30 = tpu.memref_slice %arg3[%dma_wait3A] : memref<30000xf32, #tpu.memory_space<hbm>> -> memref<10000xf32, #tpu.memory_space<hbm>>
      %dma_wait3A_31 = arith.constant 10000 : i32
      %dma_wait3A_32 = tpu.memref_slice %arg3[%dma_wait3A_31] : memref<30000xf32, #tpu.memory_space<hbm>> -> memref<10000xf32, #tpu.memory_space<hbm>>
      tpu.wait_dma2 semaphore(%run_scoped3A : memref<!tpu.dma_semaphore, #tpu.memory_space<semaphore_mem>>) src(%dma_wait3A_32 : memref<10000xf32, #tpu.memory_space<hbm>>) dst(%arg16 : memref<10000xf32, #tpu.memory_space<vmem>>)
      tpu.yield
    }) : () -> ()
    "tpu.region"() ({
      %run_scoped3A = tpu.sem_alloc : memref<!tpu.dma_semaphore, #tpu.memory_space<semaphore_mem>>
      %dma_start3A = arith.constant 20000 : i32
      %dma_start3A_27 = tpu.memref_slice %arg3[%dma_start3A] : memref<30000xf32, #tpu.memory_space<hbm>> -> memref<10000xf32, #tpu.memory_space<hbm>>
      %dma_start3A_28 = arith.constant 20000 : i32
      %dma_start3A_29 = tpu.memref_slice %arg3[%dma_start3A_28] : memref<30000xf32, #tpu.memory_space<hbm>> -> memref<10000xf32, #tpu.memory_space<hbm>>
      tpu.enqueue_dma source(%dma_start3A_29 : memref<10000xf32, #tpu.memory_space<hbm>>) target(%arg17 : memref<10000xf32, #tpu.memory_space<vmem>>) target_semaphore(%run_scoped3A : memref<!tpu.dma_semaphore, #tpu.memory_space<semaphore_mem>>)
      %dma_wait3A = arith.constant 20000 : i32
      %dma_wait3A_30 = tpu.memref_slice %arg3[%dma_wait3A] : memref<30000xf32, #tpu.memory_space<hbm>> -> memref<10000xf32, #tpu.memory_space<hbm>>
      %dma_wait3A_31 = arith.constant 20000 : i32
      %dma_wait3A_32 = tpu.memref_slice %arg3[%dma_wait3A_31] : memref<30000xf32, #tpu.memory_space<hbm>> -> memref<10000xf32, #tpu.memory_space<hbm>>
      tpu.wait_dma2 semaphore(%run_scoped3A : memref<!tpu.dma_semaphore, #tpu.memory_space<semaphore_mem>>) src(%dma_wait3A_32 : memref<10000xf32, #tpu.memory_space<hbm>>) dst(%arg17 : memref<10000xf32, #tpu.memory_space<vmem>>)
      tpu.yield
    }) : () -> ()
    "tpu.region"() ({
      %run_scoped3A = tpu.sem_alloc : memref<!tpu.dma_semaphore, #tpu.memory_space<semaphore_mem>>
      tpu.enqueue_dma source(%arg4 : memref<10000xf32, #tpu.memory_space<hbm>>) target(%arg18 : memref<10000xf32, #tpu.memory_space<vmem>>) target_semaphore(%run_scoped3A : memref<!tpu.dma_semaphore, #tpu.memory_space<semaphore_mem>>)
      tpu.wait_dma2 semaphore(%run_scoped3A : memref<!tpu.dma_semaphore, #tpu.memory_space<semaphore_mem>>) src(%arg4 : memref<10000xf32, #tpu.memory_space<hbm>>) dst(%arg18 : memref<10000xf32, #tpu.memory_space<vmem>>)
      tpu.yield
    }) : () -> ()
    %mul3A_1 = arith.constant 4800 : i32
    %mul3A_2 = arith.muli %add3A, %mul3A_1 : i32
    "tpu.region"() ({
      %run_scoped3A = tpu.sem_alloc : memref<!tpu.dma_semaphore, #tpu.memory_space<semaphore_mem>>
      %dma_start3A = tpu.memref_slice %arg5[%mul3A_2] : memref<153600xi32, #tpu.memory_space<hbm>> -> memref<4800xi32, #tpu.memory_space<hbm>>
      %dma_start3A_27 = tpu.memref_slice %arg5[%mul3A_2] : memref<153600xi32, #tpu.memory_space<hbm>> -> memref<4800xi32, #tpu.memory_space<hbm>>
      tpu.enqueue_dma source(%dma_start3A_27 : memref<4800xi32, #tpu.memory_space<hbm>>) target(%arg19 : memref<4800xi32, #tpu.memory_space<vmem>>) target_semaphore(%run_scoped3A : memref<!tpu.dma_semaphore, #tpu.memory_space<semaphore_mem>>)
      %dma_wait3A = tpu.memref_slice %arg5[%mul3A_2] : memref<153600xi32, #tpu.memory_space<hbm>> -> memref<4800xi32, #tpu.memory_space<hbm>>
      %dma_wait3A_28 = tpu.memref_slice %arg5[%mul3A_2] : memref<153600xi32, #tpu.memory_space<hbm>> -> memref<4800xi32, #tpu.memory_space<hbm>>
      tpu.wait_dma2 semaphore(%run_scoped3A : memref<!tpu.dma_semaphore, #tpu.memory_space<semaphore_mem>>) src(%dma_wait3A_28 : memref<4800xi32, #tpu.memory_space<hbm>>) dst(%arg19 : memref<4800xi32, #tpu.memory_space<vmem>>)
      tpu.yield
    }) : () -> ()
    "tpu.region"() ({
      %run_scoped3A = tpu.sem_alloc : memref<!tpu.dma_semaphore, #tpu.memory_space<semaphore_mem>>
      %dma_start3A = tpu.memref_slice %arg6[%mul3A_2] : memref<153600xi32, #tpu.memory_space<hbm>> -> memref<4800xi32, #tpu.memory_space<hbm>>
      %dma_start3A_27 = tpu.memref_slice %arg6[%mul3A_2] : memref<153600xi32, #tpu.memory_space<hbm>> -> memref<4800xi32, #tpu.memory_space<hbm>>
      tpu.enqueue_dma source(%dma_start3A_27 : memref<4800xi32, #tpu.memory_space<hbm>>) target(%arg20 : memref<4800xi32, #tpu.memory_space<vmem>>) target_semaphore(%run_scoped3A : memref<!tpu.dma_semaphore, #tpu.memory_space<semaphore_mem>>)
      %dma_wait3A = tpu.memref_slice %arg6[%mul3A_2] : memref<153600xi32, #tpu.memory_space<hbm>> -> memref<4800xi32, #tpu.memory_space<hbm>>
      %dma_wait3A_28 = tpu.memref_slice %arg6[%mul3A_2] : memref<153600xi32, #tpu.memory_space<hbm>> -> memref<4800xi32, #tpu.memory_space<hbm>>
      tpu.wait_dma2 semaphore(%run_scoped3A : memref<!tpu.dma_semaphore, #tpu.memory_space<semaphore_mem>>) src(%dma_wait3A_28 : memref<4800xi32, #tpu.memory_space<hbm>>) dst(%arg20 : memref<4800xi32, #tpu.memory_space<vmem>>)
      tpu.yield
    }) : () -> ()
    %scan3A = arith.constant 0 : i32
    %scan3A_3 = arith.constant 0 : i32
    %scan3A_4 = arith.constant 300 : i32
    %scan3A_5 = arith.addi %scan3A_3, %scan3A_4 : i32
    %scan3A_6 = arith.constant 1 : i32
    %scan3A_7 = scf.for %scan3A_27 = %scan3A_3 to %scan3A_5 step %scan3A_6 iter_args(%scan3A_28 = %scan3A) -> (i32)  : i32 {
      %mul3A_29 = arith.constant 16 : i32
      %mul3A_30 = arith.muli %scan3A_27, %mul3A_29 : i32
      %get3A = arith.index_cast %mul3A_30 : i32 to index
      %get3A_31 = tpu.vector_load %arg19[%get3A] {strides = array<i32>} : memref<4800xi32, #tpu.memory_space<vmem>>, vector<16xi32>,
      %get3A_32 = arith.index_cast %mul3A_30 : i32 to index
      %get3A_33 = tpu.vector_load %arg20[%get3A_32] {strides = array<i32>} : memref<4800xi32, #tpu.memory_space<vmem>>, vector<16xi32>,
      %gather3A = tpu.vector_load_idx %arg12[%get3A_31] : memref<10000xf32, #tpu.memory_space<vmem>>[vector<16xi32>], vector<16xf32>,
      %gather3A_34 = tpu.vector_load_idx %arg15[%get3A_33] : memref<10000xf32, #tpu.memory_space<vmem>>[vector<16xi32>], vector<16xf32>,
      %add3A_35 = arith.addf %gather3A, %gather3A_34 : vector<16xf32>
      %swap3A_36 = arith.index_cast %mul3A_30 : i32 to index
      %swap3A_37 = tpu.vector_load %arg21[%swap3A_36] {strides = array<i32>} : memref<4800xf32, #tpu.memory_space<vmem>>, vector<16xf32>,
      tpu.vector_store %arg21[%swap3A_36], %add3A_35 {strides = array<i32>} : memref<4800xf32, #tpu.memory_space<vmem>>, vector<16xf32>,
      %gather3A_38 = tpu.vector_load_idx %arg13[%get3A_31] : memref<10000xf32, #tpu.memory_space<vmem>>[vector<16xi32>], vector<16xf32>,
      %gather3A_39 = tpu.vector_load_idx %arg16[%get3A_33] : memref<10000xf32, #tpu.memory_space<vmem>>[vector<16xi32>], vector<16xf32>,
      %add3A_40 = arith.addf %gather3A_38, %gather3A_39 : vector<16xf32>
      %swap3A_41 = arith.index_cast %mul3A_30 : i32 to index
      %swap3A_42 = tpu.vector_load %arg22[%swap3A_41] {strides = array<i32>} : memref<4800xf32, #tpu.memory_space<vmem>>, vector<16xf32>,
      tpu.vector_store %arg22[%swap3A_41], %add3A_40 {strides = array<i32>} : memref<4800xf32, #tpu.memory_space<vmem>>, vector<16xf32>,
      %gather3A_43 = tpu.vector_load_idx %arg14[%get3A_31] : memref<10000xf32, #tpu.memory_space<vmem>>[vector<16xi32>], vector<16xf32>,
      %gather3A_44 = tpu.vector_load_idx %arg17[%get3A_33] : memref<10000xf32, #tpu.memory_space<vmem>>[vector<16xi32>], vector<16xf32>,
      %add3A_45 = arith.addf %gather3A_43, %gather3A_44 : vector<16xf32>
      %swap3A_46 = arith.index_cast %mul3A_30 : i32 to index
      %swap3A_47 = tpu.vector_load %arg23[%swap3A_46] {strides = array<i32>} : memref<4800xf32, #tpu.memory_space<vmem>>, vector<16xf32>,
      tpu.vector_store %arg23[%swap3A_46], %add3A_45 {strides = array<i32>} : memref<4800xf32, #tpu.memory_space<vmem>>, vector<16xf32>,
      %scan3A_48 = arith.constant 0 : i32
      scf.yield %scan3A_48 : i32
    }
    %scan3A_8 = arith.constant 300 : i32
    %add3A_9 = arith.constant 0 : i32
    %add3A_10 = arith.addi %add3A_9, %mul3A_2 : i32
    "tpu.region"() ({
      %run_scoped3A = tpu.sem_alloc : memref<!tpu.dma_semaphore, #tpu.memory_space<semaphore_mem>>
      %dma_start3A = tpu.memref_slice %arg10[%add3A_10] : memref<460800xf32, #tpu.memory_space<hbm>> -> memref<4800xf32, #tpu.memory_space<hbm>>
      %dma_start3A_27 = tpu.memref_slice %arg10[%add3A_10] : memref<460800xf32, #tpu.memory_space<hbm>> -> memref<4800xf32, #tpu.memory_space<hbm>>
      tpu.enqueue_dma source(%arg21 : memref<4800xf32, #tpu.memory_space<vmem>>) target(%dma_start3A_27 : memref<4800xf32, #tpu.memory_space<hbm>>) target_semaphore(%run_scoped3A : memref<!tpu.dma_semaphore, #tpu.memory_space<semaphore_mem>>)
      %dma_wait3A = tpu.memref_slice %arg10[%add3A_10] : memref<460800xf32, #tpu.memory_space<hbm>> -> memref<4800xf32, #tpu.memory_space<hbm>>
      %dma_wait3A_28 = tpu.memref_slice %arg10[%add3A_10] : memref<460800xf32, #tpu.memory_space<hbm>> -> memref<4800xf32, #tpu.memory_space<hbm>>
      tpu.wait_dma2 semaphore(%run_scoped3A : memref<!tpu.dma_semaphore, #tpu.memory_space<semaphore_mem>>) src(%arg21 : memref<4800xf32, #tpu.memory_space<vmem>>) dst(%dma_wait3A_28 : memref<4800xf32, #tpu.memory_space<hbm>>)
      tpu.yield
    }) : () -> ()
    %add3A_11 = arith.constant 153600 : i32
    %add3A_12 = arith.addi %add3A_11, %mul3A_2 : i32
    "tpu.region"() ({
      %run_scoped3A = tpu.sem_alloc : memref<!tpu.dma_semaphore, #tpu.memory_space<semaphore_mem>>
      %dma_start3A = tpu.memref_slice %arg10[%add3A_12] : memref<460800xf32, #tpu.memory_space<hbm>> -> memref<4800xf32, #tpu.memory_space<hbm>>
      %dma_start3A_27 = tpu.memref_slice %arg10[%add3A_12] : memref<460800xf32, #tpu.memory_space<hbm>> -> memref<4800xf32, #tpu.memory_space<hbm>>
      tpu.enqueue_dma source(%arg22 : memref<4800xf32, #tpu.memory_space<vmem>>) target(%dma_start3A_27 : memref<4800xf32, #tpu.memory_space<hbm>>) target_semaphore(%run_scoped3A : memref<!tpu.dma_semaphore, #tpu.memory_space<semaphore_mem>>)
      %dma_wait3A = tpu.memref_slice %arg10[%add3A_12] : memref<460800xf32, #tpu.memory_space<hbm>> -> memref<4800xf32, #tpu.memory_space<hbm>>
      %dma_wait3A_28 = tpu.memref_slice %arg10[%add3A_12] : memref<460800xf32, #tpu.memory_space<hbm>> -> memref<4800xf32, #tpu.memory_space<hbm>>
      tpu.wait_dma2 semaphore(%run_scoped3A : memref<!tpu.dma_semaphore, #tpu.memory_space<semaphore_mem>>) src(%arg22 : memref<4800xf32, #tpu.memory_space<vmem>>) dst(%dma_wait3A_28 : memref<4800xf32, #tpu.memory_space<hbm>>)
      tpu.yield
    }) : () -> ()
    %add3A_13 = arith.constant 307200 : i32
    %add3A_14 = arith.addi %add3A_13, %mul3A_2 : i32
    "tpu.region"() ({
      %run_scoped3A = tpu.sem_alloc : memref<!tpu.dma_semaphore, #tpu.memory_space<semaphore_mem>>
      %dma_start3A = tpu.memref_slice %arg10[%add3A_14] : memref<460800xf32, #tpu.memory_space<hbm>> -> memref<4800xf32, #tpu.memory_space<hbm>>
      %dma_start3A_27 = tpu.memref_slice %arg10[%add3A_14] : memref<460800xf32, #tpu.memory_space<hbm>> -> memref<4800xf32, #tpu.memory_space<hbm>>
      tpu.enqueue_dma source(%arg23 : memref<4800xf32, #tpu.memory_space<vmem>>) target(%dma_start3A_27 : memref<4800xf32, #tpu.memory_space<hbm>>) target_semaphore(%run_scoped3A : memref<!tpu.dma_semaphore, #tpu.memory_space<semaphore_mem>>)
      %dma_wait3A = tpu.memref_slice %arg10[%add3A_14] : memref<460800xf32, #tpu.memory_space<hbm>> -> memref<4800xf32, #tpu.memory_space<hbm>>
      %dma_wait3A_28 = tpu.memref_slice %arg10[%add3A_14] : memref<460800xf32, #tpu.memory_space<hbm>> -> memref<4800xf32, #tpu.memory_space<hbm>>
      tpu.wait_dma2 semaphore(%run_scoped3A : memref<!tpu.dma_semaphore, #tpu.memory_space<semaphore_mem>>) src(%arg23 : memref<4800xf32, #tpu.memory_space<vmem>>) dst(%dma_wait3A_28 : memref<4800xf32, #tpu.memory_space<hbm>>)
      tpu.yield
    }) : () -> ()
    %mul3A_15 = arith.constant 3200 : i32
    %mul3A_16 = arith.muli %add3A, %mul3A_15 : i32
    "tpu.region"() ({
      %run_scoped3A = tpu.sem_alloc : memref<!tpu.dma_semaphore, #tpu.memory_space<semaphore_mem>>
      %dma_start3A = tpu.memref_slice %arg7[%mul3A_16] : memref<102400xi32, #tpu.memory_space<hbm>> -> memref<3200xi32, #tpu.memory_space<hbm>>
      %dma_start3A_27 = tpu.memref_slice %arg7[%mul3A_16] : memref<102400xi32, #tpu.memory_space<hbm>> -> memref<3200xi32, #tpu.memory_space<hbm>>
      tpu.enqueue_dma source(%dma_start3A_27 : memref<3200xi32, #tpu.memory_space<hbm>>) target(%arg24 : memref<3200xi32, #tpu.memory_space<vmem>>) target_semaphore(%run_scoped3A : memref<!tpu.dma_semaphore, #tpu.memory_space<semaphore_mem>>)
      %dma_wait3A = tpu.memref_slice %arg7[%mul3A_16] : memref<102400xi32, #tpu.memory_space<hbm>> -> memref<3200xi32, #tpu.memory_space<hbm>>
      %dma_wait3A_28 = tpu.memref_slice %arg7[%mul3A_16] : memref<102400xi32, #tpu.memory_space<hbm>> -> memref<3200xi32, #tpu.memory_space<hbm>>
      tpu.wait_dma2 semaphore(%run_scoped3A : memref<!tpu.dma_semaphore, #tpu.memory_space<semaphore_mem>>) src(%dma_wait3A_28 : memref<3200xi32, #tpu.memory_space<hbm>>) dst(%arg24 : memref<3200xi32, #tpu.memory_space<vmem>>)
      tpu.yield
    }) : () -> ()
    "tpu.region"() ({
      %run_scoped3A = tpu.sem_alloc : memref<!tpu.dma_semaphore, #tpu.memory_space<semaphore_mem>>
      %dma_start3A = tpu.memref_slice %arg8[%mul3A_16] : memref<102400xi32, #tpu.memory_space<hbm>> -> memref<3200xi32, #tpu.memory_space<hbm>>
      %dma_start3A_27 = tpu.memref_slice %arg8[%mul3A_16] : memref<102400xi32, #tpu.memory_space<hbm>> -> memref<3200xi32, #tpu.memory_space<hbm>>
      tpu.enqueue_dma source(%dma_start3A_27 : memref<3200xi32, #tpu.memory_space<hbm>>) target(%arg25 : memref<3200xi32, #tpu.memory_space<vmem>>) target_semaphore(%run_scoped3A : memref<!tpu.dma_semaphore, #tpu.memory_space<semaphore_mem>>)
      %dma_wait3A = tpu.memref_slice %arg8[%mul3A_16] : memref<102400xi32, #tpu.memory_space<hbm>> -> memref<3200xi32, #tpu.memory_space<hbm>>
      %dma_wait3A_28 = tpu.memref_slice %arg8[%mul3A_16] : memref<102400xi32, #tpu.memory_space<hbm>> -> memref<3200xi32, #tpu.memory_space<hbm>>
      tpu.wait_dma2 semaphore(%run_scoped3A : memref<!tpu.dma_semaphore, #tpu.memory_space<semaphore_mem>>) src(%dma_wait3A_28 : memref<3200xi32, #tpu.memory_space<hbm>>) dst(%arg25 : memref<3200xi32, #tpu.memory_space<vmem>>)
      tpu.yield
    }) : () -> ()
    "tpu.region"() ({
      %run_scoped3A = tpu.sem_alloc : memref<!tpu.dma_semaphore, #tpu.memory_space<semaphore_mem>>
      %dma_start3A = tpu.memref_slice %arg9[%mul3A_16] : memref<102400xi32, #tpu.memory_space<hbm>> -> memref<3200xi32, #tpu.memory_space<hbm>>
      %dma_start3A_27 = tpu.memref_slice %arg9[%mul3A_16] : memref<102400xi32, #tpu.memory_space<hbm>> -> memref<3200xi32, #tpu.memory_space<hbm>>
      tpu.enqueue_dma source(%dma_start3A_27 : memref<3200xi32, #tpu.memory_space<hbm>>) target(%arg26 : memref<3200xi32, #tpu.memory_space<vmem>>) target_semaphore(%run_scoped3A : memref<!tpu.dma_semaphore, #tpu.memory_space<semaphore_mem>>)
      %dma_wait3A = tpu.memref_slice %arg9[%mul3A_16] : memref<102400xi32, #tpu.memory_space<hbm>> -> memref<3200xi32, #tpu.memory_space<hbm>>
      %dma_wait3A_28 = tpu.memref_slice %arg9[%mul3A_16] : memref<102400xi32, #tpu.memory_space<hbm>> -> memref<3200xi32, #tpu.memory_space<hbm>>
      tpu.wait_dma2 semaphore(%run_scoped3A : memref<!tpu.dma_semaphore, #tpu.memory_space<semaphore_mem>>) src(%dma_wait3A_28 : memref<3200xi32, #tpu.memory_space<hbm>>) dst(%arg26 : memref<3200xi32, #tpu.memory_space<vmem>>)
      tpu.yield
    }) : () -> ()
    %broadcast_in_dim3A = arith.constant 0.000000e+00 : f32
    %broadcast_in_dim3A_17 = vector.broadcast %broadcast_in_dim3A : f32 to vector<16xf32>
    %scan3A_18 = arith.constant 0 : i32
    %scan3A_19 = arith.constant 200 : i32
    %scan3A_20 = arith.addi %scan3A_18, %scan3A_19 : i32
    %scan3A_21 = arith.constant 1 : i32
    %scan3A_22 = scf.for %scan3A_27 = %scan3A_18 to %scan3A_20 step %scan3A_21 iter_args(%scan3A_28 = %broadcast_in_dim3A_17) -> (vector<16xf32>)  : i32 {
      %mul3A_29 = arith.constant 16 : i32
      %mul3A_30 = arith.muli %scan3A_27, %mul3A_29 : i32
      %get3A = arith.index_cast %mul3A_30 : i32 to index
      %get3A_31 = tpu.vector_load %arg24[%get3A] {strides = array<i32>} : memref<3200xi32, #tpu.memory_space<vmem>>, vector<16xi32>,
      %gather3A = tpu.vector_load_idx %arg18[%get3A_31] : memref<10000xf32, #tpu.memory_space<vmem>>[vector<16xi32>], vector<16xf32>,
      %get3A_32 = arith.index_cast %mul3A_30 : i32 to index
      %get3A_33 = tpu.vector_load %arg25[%get3A_32] {strides = array<i32>} : memref<3200xi32, #tpu.memory_space<vmem>>, vector<16xi32>,
      %gather3A_34 = tpu.vector_load_idx %arg18[%get3A_33] : memref<10000xf32, #tpu.memory_space<vmem>>[vector<16xi32>], vector<16xf32>,
      %sub3A = arith.subf %gather3A, %gather3A_34 : vector<16xf32>
      %get3A_35 = arith.index_cast %mul3A_30 : i32 to index
      %get3A_36 = tpu.vector_load %arg26[%get3A_35] {strides = array<i32>} : memref<3200xi32, #tpu.memory_space<vmem>>, vector<16xi32>,
      %gt3A = arith.constant 0 : i32
      %gt3A_37 = vector.broadcast %gt3A : i32 to vector<16xi32>
      %gt3A_38 = arith.cmpi sgt, %get3A_36, %gt3A_37 : vector<16xi32>
      %min3A = arith.constant -5.000000e-01 : f32
      %min3A_39 = vector.broadcast %min3A : f32 to vector<16xf32>
      %min3A_40 = arith.minimumf %sub3A, %min3A_39 : vector<16xf32>
      %max3A = arith.constant 5.000000e-01 : f32
      %max3A_41 = vector.broadcast %max3A : f32 to vector<16xf32>
      %max3A_42 = arith.maximumf %sub3A, %max3A_41 : vector<16xf32>
      %select_n3A = arith.select %gt3A_38, %min3A_40, %max3A_42 : vector<16xi1>, vector<16xf32>
      %sub3A_43 = arith.subf %select_n3A, %sub3A : vector<16xf32>
      %mul3A_44 = arith.constant 16 : i32
      %mul3A_45 = arith.muli %scan3A_27, %mul3A_44 : i32
      %add3A_46 = arith.addi %mul3A_16, %mul3A_45 : i32
      %lt3A = arith.constant 100000 : i32
      %lt3A_47 = arith.cmpi slt, %add3A_46, %lt3A : i32
      %mul3A_48 = arith.mulf %sub3A_43, %sub3A_43 : vector<16xf32>
      %broadcast_in_dim3A_49 = arith.constant 0.000000e+00 : f32
      %broadcast_in_dim3A_50 = vector.broadcast %broadcast_in_dim3A_49 : f32 to vector<16xf32>
      %select_n3A_51 = arith.select %lt3A_47, %mul3A_48, %broadcast_in_dim3A_50 : vector<16xf32>
      %add3A_52 = arith.addf %scan3A_28, %select_n3A_51 : vector<16xf32>
      scf.yield %add3A_52 : vector<16xf32>
    }
    %scan3A_23 = arith.constant 200 : i32
    %swap3A = arith.constant 0 : index
    %swap3A_24 = tpu.vector_load %arg27[%swap3A] {strides = array<i32>} : memref<16xf32, #tpu.memory_space<vmem>>, vector<16xf32>,
    tpu.vector_store %arg27[%swap3A], %scan3A_22 {strides = array<i32>} : memref<16xf32, #tpu.memory_space<vmem>>, vector<16xf32>,
    %mul3A_25 = arith.constant 16 : i32
    %mul3A_26 = arith.muli %add3A, %mul3A_25 : i32
    "tpu.region"() ({
      %run_scoped3A = tpu.sem_alloc : memref<!tpu.dma_semaphore, #tpu.memory_space<semaphore_mem>>
      %dma_start3A = tpu.memref_slice %arg11[%mul3A_26] : memref<512xf32, #tpu.memory_space<hbm>> -> memref<16xf32, #tpu.memory_space<hbm>>
      %dma_start3A_27 = tpu.memref_slice %arg11[%mul3A_26] : memref<512xf32, #tpu.memory_space<hbm>> -> memref<16xf32, #tpu.memory_space<hbm>>
      tpu.enqueue_dma source(%arg27 : memref<16xf32, #tpu.memory_space<vmem>>) target(%dma_start3A_27 : memref<16xf32, #tpu.memory_space<hbm>>) target_semaphore(%run_scoped3A : memref<!tpu.dma_semaphore, #tpu.memory_space<semaphore_mem>>)
      %dma_wait3A = tpu.memref_slice %arg11[%mul3A_26] : memref<512xf32, #tpu.memory_space<hbm>> -> memref<16xf32, #tpu.memory_space<hbm>>
      %dma_wait3A_28 = tpu.memref_slice %arg11[%mul3A_26] : memref<512xf32, #tpu.memory_space<hbm>> -> memref<16xf32, #tpu.memory_space<hbm>>
      tpu.wait_dma2 semaphore(%run_scoped3A : memref<!tpu.dma_semaphore, #tpu.memory_space<semaphore_mem>>) src(%arg27 : memref<16xf32, #tpu.memory_space<vmem>>) dst(%dma_wait3A_28 : memref<16xf32, #tpu.memory_space<hbm>>)
      tpu.yield
    }) : () -> ()
    return
  }
}

module attributes {stable_mosaic.version = 14 : i64} {
  func.func @_mm_body(%arg0: memref<10000x128xf32, #tpu.memory_space<vmem>>, %arg1: memref<64x128xf32, #tpu.memory_space<vmem>>, %arg2: memref<64x128xf32, #tpu.memory_space<vmem>>, %arg3: memref<64x1xf32, #tpu.memory_space<vmem>>, %arg4: memref<1x3xf32, #tpu.memory_space<vmem>>, %arg5: memref<1x160000xi32, #tpu.memory_space<vmem>>, %arg6: memref<1x160000xi32, #tpu.memory_space<vmem>>, %arg7: memref<64x10000xf32, #tpu.memory_space<vmem>>, %arg8: memref<64x10000xf32, #tpu.memory_space<vmem>>, %arg9: memref<1x160000xf32, #tpu.memory_space<vmem>>, %arg10: memref<1x160000xf32, #tpu.memory_space<vmem>>) attributes {dimension_semantics = [], scalar_prefetch = 0 : i64, scratch_operands = 0 : i64, tpu.core_type = #tpu.core_type<tc>} {
    %get3A = arith.constant 0 : index
    %get3A_0 = arith.constant 0 : index
    %get3A_1 = vector.load %arg0[%get3A, %get3A_0] : memref<10000x128xf32, #tpu.memory_space<vmem>>, vector<10000x128xf32>
    %get3A_2 = arith.constant 0 : index
    %get3A_3 = arith.constant 0 : index
    %get3A_4 = vector.load %arg1[%get3A_2, %get3A_3] : memref<64x128xf32, #tpu.memory_space<vmem>>, vector<64x128xf32>
    %dot_general3A = arith.constant dense<0.000000e+00> : vector<64x10000xf32>
    %dot_general3A_5 = tpu.matmul %get3A_4, %get3A_1, %dot_general3A {dimension_numbers = #tpu.dot_dimension_numbers<[1], [1], [0], [0], [0, 0, 1, 0], [], []>, transpose_lhs_hint = false} : vector<64x128xf32>, vector<10000x128xf32>, vector<64x10000xf32> -> vector<64x10000xf32>
    %swap3A = arith.constant 0 : index
    %swap3A_6 = arith.constant 0 : index
    %swap3A_7 = vector.load %arg7[%swap3A, %swap3A_6] : memref<64x10000xf32, #tpu.memory_space<vmem>>, vector<64x10000xf32>
    tpu.vector_store %arg7[%swap3A, %swap3A_6], %dot_general3A_5 {strides = array<i32>} : memref<64x10000xf32, #tpu.memory_space<vmem>>, vector<64x10000xf32>,
    %get3A_8 = arith.constant 0 : index
    %get3A_9 = arith.constant 0 : index
    %get3A_10 = vector.load %arg2[%get3A_8, %get3A_9] : memref<64x128xf32, #tpu.memory_space<vmem>>, vector<64x128xf32>
    %dot_general3A_11 = arith.constant dense<0.000000e+00> : vector<64x10000xf32>
    %dot_general3A_12 = tpu.matmul %get3A_10, %get3A_1, %dot_general3A_11 {dimension_numbers = #tpu.dot_dimension_numbers<[1], [1], [0], [0], [0, 0, 1, 0], [], []>, transpose_lhs_hint = false} : vector<64x128xf32>, vector<10000x128xf32>, vector<64x10000xf32> -> vector<64x10000xf32>
    %get3A_13 = arith.constant 0 : index
    %get3A_14 = arith.constant 0 : index
    %get3A_15 = vector.load %arg3[%get3A_13, %get3A_14] : memref<64x1xf32, #tpu.memory_space<vmem>>, vector<64x1xf32>
    %add3A = vector.broadcast %get3A_15 : vector<64x1xf32> to vector<64x10000xf32>
    %add3A_16 = arith.addf %dot_general3A_12, %add3A : vector<64x10000xf32>
    %swap3A_17 = arith.constant 0 : index
    %swap3A_18 = arith.constant 0 : index
    %swap3A_19 = vector.load %arg8[%swap3A_17, %swap3A_18] : memref<64x10000xf32, #tpu.memory_space<vmem>>, vector<64x10000xf32>
    tpu.vector_store %arg8[%swap3A_17, %swap3A_18], %add3A_16 {strides = array<i32>} : memref<64x10000xf32, #tpu.memory_space<vmem>>, vector<64x10000xf32>,
    %get3A_20 = arith.constant 0 : index
    %get3A_21 = arith.constant 0 : index
    %get3A_22 = vector.load %arg4[%get3A_20, %get3A_21] : memref<1x3xf32, #tpu.memory_space<vmem>>, vector<1x1xf32>
    %get3A_23 = arith.constant 0 : index
    %get3A_24 = arith.constant 1 : index
    %get3A_25 = vector.load %arg4[%get3A_23, %get3A_24] : memref<1x3xf32, #tpu.memory_space<vmem>>, vector<1x1xf32>
    %get3A_26 = arith.constant 0 : index
    %get3A_27 = arith.constant 2 : index
    %get3A_28 = vector.load %arg4[%get3A_26, %get3A_27] : memref<1x3xf32, #tpu.memory_space<vmem>>, vector<1x1xf32>
    %get3A_29 = arith.constant 0 : index
    %get3A_30 = arith.constant 0 : index
    %get3A_31 = vector.load %arg5[%get3A_29, %get3A_30] : memref<1x160000xi32, #tpu.memory_space<vmem>>, vector<1x160000xi32>
    %get3A_32 = arith.constant 0 : index
    %get3A_33 = arith.constant 0 : index
    %get3A_34 = vector.load %arg6[%get3A_32, %get3A_33] : memref<1x160000xi32, #tpu.memory_space<vmem>>, vector<1x160000xi32>
    %eq3A = arith.constant 0 : i32
    %eq3A_35 = vector.broadcast %eq3A : i32 to vector<1x160000xi32>
    %eq3A_36 = arith.cmpi eq, %get3A_31, %eq3A_35 : vector<1x160000xi32>
    %eq3A_37 = arith.constant 1 : i32
    %eq3A_38 = vector.broadcast %eq3A_37 : i32 to vector<1x160000xi32>
    %eq3A_39 = arith.cmpi eq, %get3A_31, %eq3A_38 : vector<1x160000xi32>
    %broadcast_in_dim3A = vector.shape_cast %get3A_25 : vector<1x1xf32> to vector<1x1xf32>
    %broadcast_in_dim3A_40 = vector.broadcast %broadcast_in_dim3A : vector<1x1xf32> to vector<1x160000xf32>
    %broadcast_in_dim3A_41 = vector.shape_cast %get3A_28 : vector<1x1xf32> to vector<1x1xf32>
    %broadcast_in_dim3A_42 = vector.broadcast %broadcast_in_dim3A_41 : vector<1x1xf32> to vector<1x160000xf32>
    %select_n3A = arith.select %eq3A_39, %broadcast_in_dim3A_40, %broadcast_in_dim3A_42 : vector<1x160000xi1>, vector<1x160000xf32>
    %broadcast_in_dim3A_43 = vector.shape_cast %get3A_22 : vector<1x1xf32> to vector<1x1xf32>
    %broadcast_in_dim3A_44 = vector.broadcast %broadcast_in_dim3A_43 : vector<1x1xf32> to vector<1x160000xf32>
    %select_n3A_45 = arith.select %eq3A_36, %broadcast_in_dim3A_44, %select_n3A : vector<1x160000xi1>, vector<1x160000xf32>
    %swap3A_46 = arith.constant 0 : index
    %swap3A_47 = arith.constant 0 : index
    %swap3A_48 = vector.load %arg9[%swap3A_46, %swap3A_47] : memref<1x160000xf32, #tpu.memory_space<vmem>>, vector<1x160000xf32>
    tpu.vector_store %arg9[%swap3A_46, %swap3A_47], %select_n3A_45 {strides = array<i32>} : memref<1x160000xf32, #tpu.memory_space<vmem>>, vector<1x160000xf32>,
    %eq3A_49 = arith.constant 0 : i32
    %eq3A_50 = vector.broadcast %eq3A_49 : i32 to vector<1x160000xi32>
    %eq3A_51 = arith.cmpi eq, %get3A_34, %eq3A_50 : vector<1x160000xi32>
    %eq3A_52 = arith.constant 1 : i32
    %eq3A_53 = vector.broadcast %eq3A_52 : i32 to vector<1x160000xi32>
    %eq3A_54 = arith.cmpi eq, %get3A_34, %eq3A_53 : vector<1x160000xi32>
    %broadcast_in_dim3A_55 = vector.shape_cast %get3A_25 : vector<1x1xf32> to vector<1x1xf32>
    %broadcast_in_dim3A_56 = vector.broadcast %broadcast_in_dim3A_55 : vector<1x1xf32> to vector<1x160000xf32>
    %broadcast_in_dim3A_57 = vector.shape_cast %get3A_28 : vector<1x1xf32> to vector<1x1xf32>
    %broadcast_in_dim3A_58 = vector.broadcast %broadcast_in_dim3A_57 : vector<1x1xf32> to vector<1x160000xf32>
    %select_n3A_59 = arith.select %eq3A_54, %broadcast_in_dim3A_56, %broadcast_in_dim3A_58 : vector<1x160000xi1>, vector<1x160000xf32>
    %broadcast_in_dim3A_60 = vector.shape_cast %get3A_22 : vector<1x1xf32> to vector<1x1xf32>
    %broadcast_in_dim3A_61 = vector.broadcast %broadcast_in_dim3A_60 : vector<1x1xf32> to vector<1x160000xf32>
    %select_n3A_62 = arith.select %eq3A_51, %broadcast_in_dim3A_61, %select_n3A_59 : vector<1x160000xi1>, vector<1x160000xf32>
    %swap3A_63 = arith.constant 0 : index
    %swap3A_64 = arith.constant 0 : index
    %swap3A_65 = vector.load %arg10[%swap3A_63, %swap3A_64] : memref<1x160000xf32, #tpu.memory_space<vmem>>, vector<1x160000xf32>
    tpu.vector_store %arg10[%swap3A_63, %swap3A_64], %select_n3A_62 {strides = array<i32>} : memref<1x160000xf32, #tpu.memory_space<vmem>>, vector<1x160000xf32>,
    return
  }
}

module attributes {stable_mosaic.version = 14 : i64} {
  func.func @_post_body(%arg0: memref<64x10000xf32, #tpu.memory_space<vmem>>, %arg1: memref<64x10000xf32, #tpu.memory_space<vmem>>, %arg2: memref<64x10000xf32, #tpu.memory_space<vmem>>, %arg3: memref<1x10000xf32, #tpu.memory_space<vmem>>, %arg4: memref<1x10000xf32, #tpu.memory_space<vmem>>, %arg5: memref<128x128xf32, #tpu.memory_space<vmem>>, %arg6: memref<3x128xf32, #tpu.memory_space<vmem>>, %arg7: memref<3x128xf32, #tpu.memory_space<vmem>>, %arg8: memref<1x128xf32, #tpu.memory_space<vmem>>, %arg9: memref<10000x128xf32, #tpu.memory_space<vmem>>, %arg10: memref<3x10000xf32, #tpu.memory_space<vmem>>, %arg11: memref<3x10000xf32, #tpu.memory_space<vmem>>, %arg12: memref<1x10000xf32, #tpu.memory_space<vmem>>) attributes {dimension_semantics = [], scalar_prefetch = 0 : i64, scratch_operands = 0 : i64, tpu.core_type = #tpu.core_type<tc>} {
    %get3A = arith.constant 0 : index
    %get3A_0 = arith.constant 0 : index
    %get3A_1 = vector.load %arg2[%get3A, %get3A_0] : memref<64x10000xf32, #tpu.memory_space<vmem>>, vector<64x10000xf32>
    %get3A_2 = arith.constant 0 : index
    %get3A_3 = arith.constant 0 : index
    %get3A_4 = vector.load %arg0[%get3A_2, %get3A_3] : memref<64x10000xf32, #tpu.memory_space<vmem>>, vector<64x10000xf32>
    %get3A_5 = arith.constant 0 : index
    %get3A_6 = arith.constant 0 : index
    %get3A_7 = vector.load %arg3[%get3A_5, %get3A_6] : memref<1x10000xf32, #tpu.memory_space<vmem>>, vector<1x10000xf32>
    %max3A = arith.constant 1.000000e+00 : f32
    %max3A_8 = vector.broadcast %max3A : f32 to vector<1x10000xf32>
    %max3A_9 = arith.maximumf %get3A_7, %max3A_8 : vector<1x10000xf32>
    %div3A = vector.broadcast %max3A_9 : vector<1x10000xf32> to vector<64x10000xf32>
    %div3A_10 = arith.divf %get3A_4, %div3A : vector<64x10000xf32>
    %add3A = arith.addf %div3A_10, %get3A_1 : vector<64x10000xf32>
    %tanh3A = math.tanh %add3A : vector<64x10000xf32>
    %get3A_11 = arith.constant 0 : index
    %get3A_12 = arith.constant 0 : index
    %get3A_13 = vector.load %arg1[%get3A_11, %get3A_12] : memref<64x10000xf32, #tpu.memory_space<vmem>>, vector<64x10000xf32>
    %get3A_14 = arith.constant 0 : index
    %get3A_15 = arith.constant 0 : index
    %get3A_16 = vector.load %arg4[%get3A_14, %get3A_15] : memref<1x10000xf32, #tpu.memory_space<vmem>>, vector<1x10000xf32>
    %max3A_17 = arith.constant 1.000000e+00 : f32
    %max3A_18 = vector.broadcast %max3A_17 : f32 to vector<1x10000xf32>
    %max3A_19 = arith.maximumf %get3A_16, %max3A_18 : vector<1x10000xf32>
    %div3A_20 = vector.broadcast %max3A_19 : vector<1x10000xf32> to vector<64x10000xf32>
    %div3A_21 = arith.divf %get3A_13, %div3A_20 : vector<64x10000xf32>
    %add3A_22 = arith.addf %div3A_21, %get3A_1 : vector<64x10000xf32>
    %tanh3A_23 = math.tanh %add3A_22 : vector<64x10000xf32>
    %concatenate3A = tpu.concatenate %tanh3A, %tanh3A_23 in 0 : vector<64x10000xf32>, vector<64x10000xf32> -> vector<128x10000xf32>
    %get3A_24 = arith.constant 0 : index
    %get3A_25 = arith.constant 0 : index
    %get3A_26 = vector.load %arg5[%get3A_24, %get3A_25] : memref<128x128xf32, #tpu.memory_space<vmem>>, vector<128x128xf32>
    %dot_general3A = arith.constant dense<0.000000e+00> : vector<10000x128xf32>
    %dot_general3A_27 = tpu.matmul %concatenate3A, %get3A_26, %dot_general3A {dimension_numbers = #tpu.dot_dimension_numbers<[0], [0], [1], [1], [0, 1, 1, 1], [], []>, transpose_lhs_hint = false} : vector<128x10000xf32>, vector<128x128xf32>, vector<10000x128xf32> -> vector<10000x128xf32>
    %tanh3A_28 = math.tanh %dot_general3A_27 : vector<10000x128xf32>
    %swap3A = arith.constant 0 : index
    %swap3A_29 = arith.constant 0 : index
    %swap3A_30 = vector.load %arg9[%swap3A, %swap3A_29] : memref<10000x128xf32, #tpu.memory_space<vmem>>, vector<10000x128xf32>
    tpu.vector_store %arg9[%swap3A, %swap3A_29], %tanh3A_28 {strides = array<i32>} : memref<10000x128xf32, #tpu.memory_space<vmem>>, vector<10000x128xf32>,
    %get3A_31 = arith.constant 0 : index
    %get3A_32 = arith.constant 0 : index
    %get3A_33 = vector.load %arg6[%get3A_31, %get3A_32] : memref<3x128xf32, #tpu.memory_space<vmem>>, vector<3x128xf32>
    %dot_general3A_34 = arith.constant dense<0.000000e+00> : vector<3x10000xf32>
    %dot_general3A_35 = tpu.matmul %get3A_33, %tanh3A_28, %dot_general3A_34 {dimension_numbers = #tpu.dot_dimension_numbers<[1], [1], [0], [0], [0, 0, 1, 0], [], []>, transpose_lhs_hint = false} : vector<3x128xf32>, vector<10000x128xf32>, vector<3x10000xf32> -> vector<3x10000xf32>
    %swap3A_36 = arith.constant 0 : index
    %swap3A_37 = arith.constant 0 : index
    %swap3A_38 = vector.load %arg10[%swap3A_36, %swap3A_37] : memref<3x10000xf32, #tpu.memory_space<vmem>>, vector<3x10000xf32>
    tpu.vector_store %arg10[%swap3A_36, %swap3A_37], %dot_general3A_35 {strides = array<i32>} : memref<3x10000xf32, #tpu.memory_space<vmem>>, vector<3x10000xf32>,
    %get3A_39 = arith.constant 0 : index
    %get3A_40 = arith.constant 0 : index
    %get3A_41 = vector.load %arg7[%get3A_39, %get3A_40] : memref<3x128xf32, #tpu.memory_space<vmem>>, vector<3x128xf32>
    %dot_general3A_42 = arith.constant dense<0.000000e+00> : vector<3x10000xf32>
    %dot_general3A_43 = tpu.matmul %get3A_41, %tanh3A_28, %dot_general3A_42 {dimension_numbers = #tpu.dot_dimension_numbers<[1], [1], [0], [0], [0, 0, 1, 0], [], []>, transpose_lhs_hint = false} : vector<3x128xf32>, vector<10000x128xf32>, vector<3x10000xf32> -> vector<3x10000xf32>
    %swap3A_44 = arith.constant 0 : index
    %swap3A_45 = arith.constant 0 : index
    %swap3A_46 = vector.load %arg11[%swap3A_44, %swap3A_45] : memref<3x10000xf32, #tpu.memory_space<vmem>>, vector<3x10000xf32>
    tpu.vector_store %arg11[%swap3A_44, %swap3A_45], %dot_general3A_43 {strides = array<i32>} : memref<3x10000xf32, #tpu.memory_space<vmem>>, vector<3x10000xf32>,
    %get3A_47 = arith.constant 0 : index
    %get3A_48 = arith.constant 0 : index
    %get3A_49 = vector.load %arg8[%get3A_47, %get3A_48] : memref<1x128xf32, #tpu.memory_space<vmem>>, vector<1x128xf32>
    %dot_general3A_50 = arith.constant dense<0.000000e+00> : vector<1x10000xf32>
    %dot_general3A_51 = tpu.matmul %get3A_49, %tanh3A_28, %dot_general3A_50 {dimension_numbers = #tpu.dot_dimension_numbers<[1], [1], [0], [0], [0, 0, 1, 0], [], []>, transpose_lhs_hint = false} : vector<1x128xf32>, vector<10000x128xf32>, vector<1x10000xf32> -> vector<1x10000xf32>
    %logistic3A = arith.negf %dot_general3A_51 : vector<1x10000xf32>
    %logistic3A_52 = math.exp %logistic3A : vector<1x10000xf32>
    %logistic3A_53 = arith.constant 1.000000e+00 : f32
    %logistic3A_54 = vector.broadcast %logistic3A_53 : f32 to vector<1x10000xf32>
    %logistic3A_55 = arith.addf %logistic3A_54, %logistic3A_52 : vector<1x10000xf32>
    %logistic3A_56 = arith.divf %logistic3A_54, %logistic3A_55 : vector<1x10000xf32>
    %swap3A_57 = arith.constant 0 : index
    %swap3A_58 = arith.constant 0 : index
    %swap3A_59 = vector.load %arg12[%swap3A_57, %swap3A_58] : memref<1x10000xf32, #tpu.memory_space<vmem>>, vector<1x10000xf32>
    tpu.vector_store %arg12[%swap3A_57, %swap3A_58], %logistic3A_56 {strides = array<i32>} : memref<1x10000xf32, #tpu.memory_space<vmem>>, vector<1x10000xf32>,
    return
  }
}

module attributes {stable_mosaic.version = 14 : i64} {
  func.func @_red_body(%arg0: i32, %arg1: memref<3x2048xf32, #tpu.memory_space<vmem>>, %arg2: memref<1x2048xi32, #tpu.memory_space<vmem>>, %arg3: memref<1x512xf32, #tpu.memory_space<vmem>>, %arg4: memref<1x1xf32, #tpu.memory_space<vmem>>, %arg5: memref<1xf32, #tpu.memory_space<smem>>) attributes {dimension_semantics = [#tpu.dimension_semantics<arbitrary>], iteration_bounds = array<i64: 75>, scalar_prefetch = 0 : i64, scratch_operands = 1 : i64, tpu.core_type = #tpu.core_type<tc>, window_params = [{transform_indices = @transform_0, window_bounds = array<i64: 3, 2048>}, {transform_indices = @transform_1, window_bounds = array<i64: 1, 2048>}, {pipeline_mode = #tpu.pipeline_mode<synchronous>, transform_indices = @transform_2, window_bounds = array<i64: 1, 512>}, {pipeline_mode = #tpu.pipeline_mode<synchronous>, transform_indices = @transform_3, window_bounds = array<i64: 1, 1>}]} {
    %get3A = arith.constant 0 : index
    %get3A_0 = arith.constant 0 : index
    %get3A_1 = vector.load %arg1[%get3A, %get3A_0] : memref<3x2048xf32, #tpu.memory_space<vmem>>, vector<3x2048xf32>
    %get3A_2 = arith.constant 0 : index
    %get3A_3 = arith.constant 0 : index
    %get3A_4 = vector.load %arg2[%get3A_2, %get3A_3] : memref<1x2048xi32, #tpu.memory_space<vmem>>, vector<1x2048xi32>
    %reduce_max3A = arith.constant dense<0xFF800000> : vector<2048xf32>
    %reduce_max3A_5 = vector.multi_reduction <maximumf>, %get3A_1, %reduce_max3A [0] : vector<3x2048xf32> to vector<2048xf32>
    %broadcast_in_dim3A = vector.shape_cast %reduce_max3A_5 : vector<2048xf32> to vector<1x2048xf32>
    %sub3A = vector.broadcast %broadcast_in_dim3A : vector<1x2048xf32> to vector<3x2048xf32>
    %sub3A_6 = arith.subf %get3A_1, %sub3A : vector<3x2048xf32>
    %exp3A = math.exp %sub3A_6 : vector<3x2048xf32>
    %reduce_sum3A = arith.constant dense<0.000000e+00> : vector<2048xf32>
    %reduce_sum3A_7 = vector.multi_reduction <add>, %exp3A, %reduce_sum3A [0] : vector<3x2048xf32> to vector<2048xf32>
    %broadcast_in_dim3A_8 = vector.shape_cast %reduce_sum3A_7 : vector<2048xf32> to vector<1x2048xf32>
    %log3A = math.log %broadcast_in_dim3A_8 : vector<1x2048xf32>
    %add3A = arith.addf %log3A, %broadcast_in_dim3A : vector<1x2048xf32>
    %iota3A = tpu.iota {dimensions = array<i32: 0>} : vector<3x2048xi32>
    %eq3A = vector.broadcast %get3A_4 : vector<1x2048xi32> to vector<3x2048xi32>
    %eq3A_9 = arith.cmpi eq, %iota3A, %eq3A : vector<3x2048xi32>
    %jit3A = arith.constant 0.000000e+00 : f32
    %broadcast_in_dim3A_10 = vector.broadcast %jit3A : f32 to vector<3x2048xf32>
    %select_n3A = arith.select %eq3A_9, %get3A_1, %broadcast_in_dim3A_10 : vector<3x2048xi1>, vector<3x2048xf32>
    %reduce_sum3A_11 = arith.constant dense<0.000000e+00> : vector<2048xf32>
    %reduce_sum3A_12 = vector.multi_reduction <add>, %select_n3A, %reduce_sum3A_11 [0] : vector<3x2048xf32> to vector<2048xf32>
    %broadcast_in_dim3A_13 = vector.shape_cast %reduce_sum3A_12 : vector<2048xf32> to vector<1x2048xf32>
    %iota3A_14 = tpu.iota {dimensions = array<i32: 1>} : vector<1x2048xi32>
    %mul3A = arith.constant 2048 : i32
    %mul3A_15 = arith.muli %arg0, %mul3A : i32
    %add3A_16 = vector.broadcast %mul3A_15 : i32 to vector<1x2048xi32>
    %add3A_17 = arith.addi %iota3A_14, %add3A_16 : vector<1x2048xi32>
    %lt3A = arith.constant 150000 : i32
    %lt3A_18 = vector.broadcast %lt3A : i32 to vector<1x2048xi32>
    %lt3A_19 = arith.cmpi slt, %add3A_17, %lt3A_18 : vector<1x2048xi32>
    %sub3A_20 = arith.subf %add3A, %broadcast_in_dim3A_13 : vector<1x2048xf32>
    %jit3A_21 = arith.constant 0.000000e+00 : f32
    %broadcast_in_dim3A_22 = vector.broadcast %jit3A_21 : f32 to vector<1x2048xf32>
    %select_n3A_23 = arith.select %lt3A_19, %sub3A_20, %broadcast_in_dim3A_22 : vector<1x2048xi1>, vector<1x2048xf32>
    %reduce_sum3A_24 = vector.shape_cast %select_n3A_23 : vector<1x2048xf32> to vector<1x1x2048xf32>
    %reduce_sum3A_25 = arith.constant dense<0.000000e+00> : vector<1xf32>
    %reduce_sum3A_26 = vector.multi_reduction <add>, %reduce_sum3A_24, %reduce_sum3A_25 [1, 2] : vector<1x1x2048xf32> to vector<1xf32>
    %reduce_sum3A_27 = vector.shape_cast %reduce_sum3A_26 : vector<1xf32> to vector<1x1x1xf32>
    %reduce_sum3A_28 = vector.extract %reduce_sum3A_27[0, 0, 0] : f32 from vector<1x1x1xf32>
    %eq3A_29 = arith.constant 0 : i32
    %eq3A_30 = arith.cmpi eq, %arg0, %eq3A_29 : i32
    %convert_element_type3A = arith.extui %eq3A_30 : i1 to i32
    %cond3A = arith.constant 0 : i32
    %cond3A_31 = arith.cmpi ne, %convert_element_type3A, %cond3A : i32
    scf.if %cond3A_31 {
      %get3A_42 = arith.constant 0 : index
      %get3A_43 = arith.constant 0 : index
      %get3A_44 = vector.load %arg3[%get3A_42, %get3A_43] : memref<1x512xf32, #tpu.memory_space<vmem>>, vector<1x512xf32>
      %reduce_sum3A_45 = vector.shape_cast %get3A_44 : vector<1x512xf32> to vector<1x1x512xf32>
      %reduce_sum3A_46 = arith.constant dense<0.000000e+00> : vector<1xf32>
      %reduce_sum3A_47 = vector.multi_reduction <add>, %reduce_sum3A_45, %reduce_sum3A_46 [1, 2] : vector<1x1x512xf32> to vector<1xf32>
      %reduce_sum3A_48 = vector.shape_cast %reduce_sum3A_47 : vector<1xf32> to vector<1x1x1xf32>
      %reduce_sum3A_49 = vector.extract %reduce_sum3A_48[0, 0, 0] : f32 from vector<1x1x1xf32>
      %div3A_50 = arith.constant 1.000000e+05 : f32
      %div3A_51 = arith.divf %reduce_sum3A_49, %div3A_50 : f32
      %swap3A_52 = arith.constant 0 : index
      %swap3A_53 = memref.load %arg5[%swap3A_52] : memref<1xf32, #tpu.memory_space<smem>>
      memref.store %div3A_51, %arg5[%swap3A_52] : memref<1xf32, #tpu.memory_space<smem>>
    } else {
    }
    %get3A_32 = arith.constant 0 : index
    %get3A_33 = memref.load %arg5[%get3A_32] : memref<1xf32, #tpu.memory_space<smem>>
    %div3A = arith.constant 1.500000e+05 : f32
    %div3A_34 = arith.divf %reduce_sum3A_28, %div3A : f32
    %add3A_35 = arith.addf %get3A_33, %div3A_34 : f32
    %swap3A = arith.constant 0 : index
    %swap3A_36 = memref.load %arg5[%swap3A] : memref<1xf32, #tpu.memory_space<smem>>
    memref.store %add3A_35, %arg5[%swap3A] : memref<1xf32, #tpu.memory_space<smem>>
    %eq3A_37 = arith.constant 74 : i32
    %eq3A_38 = arith.cmpi eq, %arg0, %eq3A_37 : i32
    %convert_element_type3A_39 = arith.extui %eq3A_38 : i1 to i32
    %cond3A_40 = arith.constant 0 : i32
    %cond3A_41 = arith.cmpi ne, %convert_element_type3A_39, %cond3A_40 : i32
    scf.if %cond3A_41 {
      %get3A_42 = arith.constant 0 : index
      %get3A_43 = memref.load %arg5[%get3A_42] : memref<1xf32, #tpu.memory_space<smem>>
      %broadcast_in_dim3A_44 = vector.broadcast %get3A_43 : f32 to vector<1x1xf32>
      %swap3A_45 = arith.constant 0 : index
      %swap3A_46 = arith.constant 0 : index
      %swap3A_47 = vector.load %arg4[%swap3A_45, %swap3A_46] : memref<1x1xf32, #tpu.memory_space<vmem>>, vector<1x1xf32>
      tpu.vector_store %arg4[%swap3A_45, %swap3A_46], %broadcast_in_dim3A_44 {strides = array<i32>} : memref<1x1xf32, #tpu.memory_space<vmem>>, vector<1x1xf32>,
    } else {
    }
    return
  }
  func.func @transform_0(%arg0: i32) -> (i32, i32) {
    %c0_i32 = arith.constant 0 : i32
    %c0_i32_0 = arith.constant 0 : i32
    return %c0_i32, %arg0 : i32, i32
  }
  func.func @transform_1(%arg0: i32) -> (i32, i32) {
    %c0_i32 = arith.constant 0 : i32
    %c0_i32_0 = arith.constant 0 : i32
    return %c0_i32, %arg0 : i32, i32
  }
  func.func @transform_2(%arg0: i32) -> (i32, i32) {
    %c0_i32 = arith.constant 0 : i32
    %c0_i32_0 = arith.constant 0 : i32
    %c0_i32_1 = arith.constant 0 : i32
    return %c0_i32, %c0_i32_0 : i32, i32
  }
  func.func @transform_3(%arg0: i32) -> (i32, i32) {
    %c0_i32 = arith.constant 0 : i32
    %c0_i32_0 = arith.constant 0 : i32
    %c0_i32_1 = arith.constant 0 : i32
    return %c0_i32, %c0_i32_0 : i32, i32
  }
}

</mosaic_0001>

<sc_bundles>
// kernel: kernel.10.cloned.1.call-start
scs
__scs_entry_jumppad:
0x0: {  	(pc) =	sbr.rel $0x88, $3  }
0x1: {  	(tag) =	ssettag $0x0;
	lr =	simm.s32 $0x1  }
0x2: {  	[smem:$0x3F92] =	sst lr;
	_ =	strace $0xD0000000  }
0x3: {  	_ = 	snop  }
0x4: {  	_ = 	snop  }
0x5: {  	_ = 	snop  }
0x6: {  	_ = 	snop  }
0x7: {  	_ = 	snop  }
__scs_overlays_trampoline_lowered:
0x8: {  	[smem:$0x3FA1] =	sst s0  }
0x9: {  	[smem:$0x3FA2] =	sst s1  }
0xa: {  	[smem:$0x3FA3] =	sst s2  }
0xb: {  	[smem:$0x3FA4] =	sst s3  }
0xc: {  	[smem:$0x3FA5] =	sst s4  }
0xd: {  	[smem:$0x3FA6] =	sst s5  }
0xe: {  	[smem:$0x3FA7] =	sst s6  }
0xf: {  	[smem:$0x3FA8] =	sst s7  }
0x10: {  	[smem:$0x3FA9] =	sst s8  }
0x11: {  	[smem:$0x3FAA] =	sst s9;
	s0 =	simm.s32 @!p0 $0x0  }
0x12: {  	s1 =	sld [smem:$0x3F90];
	s0 =	simm.s32 @p0 $0x1  }
0x13: {  	[smem:$0x3FAB] =	sst s0;
	s0 =	simm.s32 @!p1 $0x0  }
0x14: {  	s2 =	sld [smem:$0x3F8F];
	s0 =	simm.s32 @p1 $0x1  }
0x15: {  	[smem:$0x3FAC] =	sst s0;
	s0 =	simm.s32 @!p2 $0x0  }
0x16: {  	s3 =	sld [smem:$0x3FDB];
	s0 =	simm.s32 @p2 $0x1  }
0x17: {  	s4 =	simm.s32 $0x1BF5;
	[smem:$0x3FAE] =	sst s0  }
0x18: {  	s0 =	sld [smem:$0x3F91];
	_ =	swait.ge [sflag:s4], $0x0  }
0x19: {  	s7 =	sld [smem:$0x3F92]  }
0x1a: {  	s8 =	sadd.s32 $0xFFFFE003, lr  }
0x1b: {  	s9 =	sadd.s32 $0xFFFFFEF7, lr;
	s5 =	simm.s32 $0xFFFFFFFF;
	p2 =	slt.u32 s8, $0xFFFFF086  }
0x1c: {  	p1 =	slt.u32 s9, $0xF7A;
	s5 =	simm.s32 @!p2 $0x0  }
0x1d: {  	s5 =	simm.s32 @p1 $0x1;
	p0 =	seq.s32 s7, s2  }
0x1e: {  	s7 =	smul.u32 @!p0 $0xF7A, s2;
	p2 =	seq.s32 @!p0 s5, $0x0  }
0x1f: {  	s9 =	smul.u32 $0xF7A, s1;
	s8 =	simm.s32 @!p0 $0x1BF5;
	p2 =	por !p2, p0  }
0x20: {  	[sflag:s8] =	ssyncset.s32 @!p0 $0xFFFFF086;
	s6 =	sadd.s32 @!p0 s3, s7;
	s7 =	simm.s32 @!p0 $0x108  }
0x21: {  	s3 =	sadd.s32 s3, s9;
	s6 =	sadd.s32 @!p0 $0x88, s6;
	s7 =	simm.s32 @p2 $0x1082  }
0x22: {  	[simem:s7], [sflag:s8] =	dma.local @!p0 [hbm:s6], $0xF7A  }
0x23: {  	s9 =	sor.u32 $0xD0000000, s2;
	s6 =	simm.s32 $0x108;
	_ =	swait.ge @!p0 [sflag:s8], $0x0  }
0x24: {  	s3 =	sadd.s32 $0x88, s3;
	s6 =	simm.s32 @!p1 $0x1082;
	[sflag:s4] =	ssyncset.s32 $0xFFFFF086  }
0x25: {  	[simem:s6], [sflag:s4] =	dma.local [hbm:s3], $0xF7A  }
0x26: {  	[smem:$0x3F92] =	sst s1;
	(tag) =	ssettag s2;
	_ =	strace s9  }
0x27: {  	s1 =	sld [smem:$0x3FA2]  }
0x28: {  	s2 =	sld [smem:$0x3FA3]  }
0x29: {  	s4 =	sld [smem:$0x3FA5]  }
0x2a: {  	p0 =	seq.s32 s5, $0x0;
	s5 =	sld [smem:$0x3FA6]  }
0x2b: {  	s6 =	sld [smem:$0x3FA7]  }
0x2c: {  	s7 =	sld [smem:$0x3FA8]  }
0x2d: {  	s3 =	simm.s32 $0x108;
	s8 =	sld [smem:$0x3FA9]  }
0x2e: {  	s3 =	simm.s32 @!p0 $0x1082;
	s9 =	sld [smem:$0x3FAA]  }
0x2f: {  	lr =	sadd.s32 s0, s3;
	s0 =	sld [smem:$0x3FA1]  }
0x30: {  	s3 =	sld [smem:$0x3FA4]  }
0x31: {  	[smem:$0x3FAD] =	sst s10  }
0x32: {  	s10 =	sld [smem:$0x3FAB];
	_ =	sdelay $0x3  }
0x33: {  	p0 =	seq.s32 s10, $0x1;
	s10 =	sld [smem:$0x3FAD];
	_ =	sdelay $0x3  }
0x34: {  	[smem:$0x3FAD] =	sst s10  }
0x35: {  	s10 =	sld [smem:$0x3FAC];
	_ =	sdelay $0x3  }
0x36: {  	p1 =	seq.s32 s10, $0x1;
	s10 =	sld [smem:$0x3FAD];
	_ =	sdelay $0x3  }
0x37: {  	[smem:$0x3FAD] =	sst s10  }
0x38: {  	s10 =	sld [smem:$0x3FAE]  }
0x39: {  	_ = 	snop;
	(pc) =	sbr.ind lr, $3  }
0x3a: {  	_ = 	snop  }
0x3b: {  	_ = 	snop  }
0x3c: {  	p2 =	seq.s32 s10, $0x1;
	s10 =	sld [smem:$0x3FAD]  }
0x3d: {  	_ =	shalt  }
0x3e: {  	_ =	shalt  }
0x3f: {  	_ =	shalt  }
0x40: {  	_ =	shalt  }
0x41: {  	_ =	shalt  }
0x42: {  	_ =	shalt  }
0x43: {  	_ =	shalt  }
0x44: {  	_ =	shalt  }
0x45: {  	_ =	shalt  }
0x46: {  	_ =	shalt  }
0x47: {  	_ =	shalt  }
0x48: {  	_ =	shalt  }
0x49: {  	_ =	shalt  }
0x4a: {  	_ =	shalt  }
0x4b: {  	_ =	shalt  }
0x4c: {  	_ =	shalt  }
0x4d: {  	_ =	shalt  }
0x4e: {  	_ =	shalt  }
0x4f: {  	_ =	shalt  }
0x50: {  	_ =	shalt  }
0x51: {  	_ =	shalt  }
0x52: {  	_ =	shalt  }
0x53: {  	_ =	shalt  }
0x54: {  	_ =	shalt  }
0x55: {  	_ =	shalt  }
0x56: {  	_ =	shalt  }
0x57: {  	_ =	shalt  }
0x58: {  	_ =	shalt  }
0x59: {  	_ =	shalt  }
0x5a: {  	_ =	shalt  }
0x5b: {  	_ =	shalt  }
0x5c: {  	_ =	shalt  }
0x5d: {  	_ =	shalt  }
0x5e: {  	_ =	shalt  }
0x5f: {  	_ =	shalt  }
0x60: {  	_ =	shalt  }
0x61: {  	_ =	shalt  }
0x62: {  	_ =	shalt  }
0x63: {  	_ =	shalt  }
0x64: {  	_ =	shalt  }
0x65: {  	_ =	shalt  }
0x66: {  	_ =	shalt  }
0x67: {  	_ =	shalt  }
0x68: {  	_ =	shalt  }
0x69: {  	_ =	shalt  }
0x6a: {  	_ =	shalt  }
0x6b: {  	_ =	shalt  }
0x6c: {  	_ =	shalt  }
0x6d: {  	_ =	shalt  }
0x6e: {  	_ =	shalt  }
0x6f: {  	_ =	shalt  }
0x70: {  	_ =	shalt  }
0x71: {  	_ =	shalt  }
0x72: {  	_ =	shalt  }
0x73: {  	_ =	shalt  }
0x74: {  	_ =	shalt  }
0x75: {  	_ =	shalt  }
0x76: {  	_ =	shalt  }
0x77: {  	_ =	shalt  }
0x78: {  	_ =	shalt  }
0x79: {  	_ =	shalt  }
0x7a: {  	_ =	shalt  }
0x7b: {  	_ =	shalt  }
0x7c: {  	_ =	shalt  }
0x7d: {  	_ =	shalt  }
0x7e: {  	_ =	shalt  }
0x7f: {  	_ =	shalt  }
0x80: {  	_ =	shalt  }
0x81: {  	_ =	shalt  }
0x82: {  	_ =	shalt  }
0x83: {  	_ =	shalt  }
0x84: {  	_ =	shalt  }
0x85: {  	_ =	shalt  }
0x86: {  	_ =	shalt  }
0x87: {  	_ =	shalt  }
.Lfunc_end0:
.L_simem_size_0:
called_computation.1_lowered:
.L_overlay_start_0:
0x88: {  	s2 =	sld [smem:$0x3FD9]  }
0x89: {  	s3 =	sld [smem:$0x3FFE];
	_ =	sdelay $0x1  }
0x8a: {  	s1 =	srdreg.scid  }
0x8b: {  	s0 =	sand.u32 $0x1, s1  }
0x8c: {  	s16 =	sshll.u32 s0, $0xA;
	s2 =	sadd.s32 s3, s2  }
0x8d: {  	s2 =	sadd.s32 s2, s16  }
0x8e: {  	[smem:$0x3FB9] =	sst s2  }
0x8f: {  	_ = 	snop  }
0x90: {  	(tm) =	ssettm $0x1  }
0x91: {  	s17 =	sld [smem:$0x3FFB];
	_ =	sdelay $0x3  }
0x92: {  	_ =	strace s17  }
0x93: {  	s2 =	sld [smem:$0x3FFC];
	_ =	sdelay $0x3  }
0x94: {  	_ =	strace s2  }
0x95: {  	s2 =	sld [smem:$0x3FFD];
	_ =	sdelay $0x3  }
0x96: {  	_ =	strace s2  }
0x97: {  	_ =	strace $0x8FFFFFFF  }
0x98: {  	s18 =	sld [smem:$0x3FDB];
	_ =	sdelay $0x1  }
0x99: {  	s19 =	simm.s32 $_scs_section_size  }
0x9a: {  	s4 =	simm.s32 $_size__tile_overlayer_lowered;
	s5 =	simm.s32 $_tile_overlayer_lowered  }
0x9b: {  	s22 =	simm.s32 $0x1BFF;
	s21 =	sshll.u32 s5, $0x1;
	s2 =	sadd.s32 s19, s18  }
0x9c: {  	s6 =	simm.s32 $0x0;
	s20 =	sshll.u32 s4, $0x1;
	s4 =	sadd.s32 s21, s2  }
0x9d: {  	[timem:s6], [sflag:s22] =	dma.local [hbm:s4], s20  }
0x9e: {  	_ =	swait.ge [sflag:s22], s20  }
0x9f: {  	s3 =	ssub.s32 $0x0, s20;
	[sflag:s22] =	ssyncset.done $0x0  }
0xa0: {  	[sflag:s22] =	ssyncadd.s32 s3;
	_ =	sdelay $0x1  }
0xa1: {  	s23 =	simm.s32 $0x1B8B  }
0xa2: {  	_ =	swait.ge [sflag:s23], $0x1  }
0xa3: {  	[sflag:s23] =	ssyncset.done $0x0  }
0xa4: {  	s25 =	simm.s32 $0x1B8E;
	s24 =	sld [smem:$0x3FFE];
	[sflag:s23] =	ssyncadd.s32 $0xFFFFFFFF  }
0xa5: {  	s26 =	simm.s32 $execute0_lowered;
	[smem:$0x3FD2] =	sst s25  }
0xa6: {  	s4 =	sshll.u32 s26, $0x1;
	_ =	strace $0x80000049;
	[dreg:$0x1] =	wrdreg $0xFFFFFFFF  }
0xa7: {  	s28 =	simm.s32 $_size_execute0_lowered;
	s2 =	sadd.s32 s2, s4;
	[dreg:$0x0] =	wrdreg $0x0  }
0xa8: {  	s4 =	sshll.u32 s28, $0x1;
	[dreg:$0x2] =	wrdreg s2  }
0xa9: {  	[dreg:$0x3] =	wrdreg s4  }
0xaa: {  	[dreg:$0x4] =	wrdreg $0xC0  }
0xab: {  	_ =	task [dreg:s6], $0x5FFFF  }
0xac: {  	[dreg:$0x1] =	wrdreg $0xFFFFFFFF  }
0xad: {  	[dreg:$0x0] =	wrdreg $0x60  }
0xae: {  	[dreg:$0x2] =	wrdreg s24  }
0xaf: {  	[dreg:$0x3] =	wrdreg $0x9  }
0xb0: {  	_ =	task.clear_ibuf [dreg:s6], $0x4FFFF;
	_ =	strace $0x90000049  }
0xb1: {  	s29 =	simm.s32 $0x9;
	_ =	strace $0x8000004B  }
0xb2: {  	_ =	swait.ge [sflag:s29], $0x1  }
0xb3: {  	[sflag:s29] =	ssyncadd.s32 $0xFFFFFFFF  }
0xb4: {  	_ =	strace $0x9000004B  }
0xb5: {  	_ =	sfence  }
0xb6: {  	s30 =	sld [smem:$0x0];
	_ =	sdelay $0x2  }
0xb7: {  	s31 =	sshll.u32 s1, $0xD;
	s1 =	sshrl.u32 s1, $0x2  }
0xb8: {  	s3 =	sand.u32 $0x4000, s31;
	s1 =	sadd.s32 s1, s30  }
0xb9: {  	s0 =	sor.u32 s3, s0;
	s1 =	sshll.u32 s1, $0x11  }
0xba: {  	s0 =	sor.u32 s1, s0  }
0xbb: {  	s0 =	sadd.s32 $0x8F2B, s0  }
0xbc: {  	[sflag:s0] =	ssyncadd.remote.s32 $0x1  }
0xbd: {  	_ =	sfence.sel $0xFFFF  }
0xbe: {  	[dreg:$0x0] =	wrdreg $0xFFFFFFFF;
	(pc) =	sbr.abs _section_cstart, $3  }
0xbf: {  	[dreg:$0x1] =	wrdreg $0xFFFFFFFF  }
0xc0: {  	_ =	task.clear_ibuf [dreg:s6], $0x2FFFF;
	_ =	strace $0x9FFFFFFF  }
0xc1: {  	(tm) =	ssettm $0x7FFFFFFF  }
tec
execute0_lowered:
.L_overlay_start_1:
0x0: {  	(tag) =	ssettag $0x1  }
0x1: {  	s0 =	srdreg.scid  }
0x2: {  	s15 =	stileid.u32;
	s1 =	rddreg [dreg:$0x0]  }
0x3: {  	s2 =	simm.s32 $0x0;
	s21 =	simm.s32 $0x1;
	s22 =	simm.s32 $0x2780  }
0x4: {  	s23 =	simm.s32 $0x4F00;
	s24 =	simm.s32 $0x7680;
	s28 =	simm.s32 $0xED00  }
0x5: {  	s0 =	sand.u32 $0x1, s0;
	s3 =	sshll.u32 s15, $0x1;
	[smem:$0x7FF] =	sst s2  }
0x6: {  	s4 =	sadd.s32 $0x2600, s1;
	s5 =	sadd.s32 $0x3600, s1;
	s30 =	smul.u32 $0x1900, s15  }
0x7: {  	s6 =	sor.u32 s0, s3;
	s26 =	ssub.s32 $0x2, s0;
	s0 =	smul.u32 $0xC80, s0  }
0x8: {  	s9 =	sadd.s32 $0x2FC4, s1;
	_ =	strace $0x8000004A;
	s7 =	smul.u32 $0xC80, s6  }
0x9: {  	s8 =	smul.u32 $0x12C0, s6;
	s6 =	sshll.u32 s6, $0x1;
	s29 =	sshrl.u32 s26, $0x1  }
0xa: {  	s3 =	sadd.s32 $0x1600, s1;
	s18 =	sadd.s32 s6, s1;
	s19 =	ssub.s32 s26, s29  }
0xb: {  	s6 =	sadd.s32 $0x1AE2, s1;
	s31 =	sadd.s32 s0, s30;
	s26 =	simm.s32 $0xC580  }
0xc: {  	s0 =	simm.s32 $0x0;
	s7 =	sshrl.u32 s7, $0x3;
	s25 =	sshrl.u32 s8, $0x3  }
0xd: {  	s8 =	sadd.s32 $0x2AE2, s1;
	s18 =	sadd.s32 $0x11E00, s18;
	s19 =	smax.u32 s19, $0x1  }
0xe: {  	s17 =	sadd.s32 s7, s1;
	s14 =	sadd.s32 s25, s1;
	s7 =	sadd.s32 $0x1FC4, s1  }
0xf: {  	s25 =	simm.s32 $0x9E00;
	s10 =	sadd.s32 $0x48600, s14;
	s11 =	sadd.s32 $0x4D200, s14  }
0x10: {  	s12 =	sadd.s32 $0x3C00, s14;
	s13 =	sadd.s32 $0x8700, s14;
	s14 =	sadd.s32 $0xD200, s14  }
0x11: {  	s15 =	sadd.s32 $0x51E00, s17;
	s16 =	sadd.s32 $0x55000, s17;
	s17 =	sadd.s32 $0x58200, s17  }
.LBB2_1:
0x12: {  	[tilespmem:s2], [sflag:$0x1] =	stream.linear.gather [hbm4b:s3+s2], $0x2710, $0x38;
	[tilespmem:$0x19980] =	vst v63  }
0x13: {  	_ =	swait.ge [sflag:s21], $0x2710  }
0x14: {  	[sflag:s21] =	ssyncset.done $0x0  }
0x15: {  	[sflag:s21] =	ssyncadd.s32 $0xFFFFD8F0  }
0x16: {  	[tilespmem:s22], [sflag:$0x1] =	stream.linear.gather [hbm4b:s6+s2], $0x2710, $0x38;
	[tilespmem:$0x19980] =	vst v63  }
0x17: {  	_ =	swait.ge [sflag:s21], $0x2710  }
0x18: {  	[sflag:s21] =	ssyncset.done $0x0  }
0x19: {  	[sflag:s21] =	ssyncadd.s32 $0xFFFFD8F0  }
0x1a: {  	[tilespmem:s23], [sflag:$0x1] =	stream.linear.gather [hbm4b:s7+s2], $0x2710, $0x38;
	[tilespmem:$0x19980] =	vst v63  }
0x1b: {  	_ =	swait.ge [sflag:s21], $0x2710  }
0x1c: {  	[sflag:s21] =	ssyncset.done $0x0  }
0x1d: {  	[sflag:s21] =	ssyncadd.s32 $0xFFFFD8F0  }
0x1e: {  	[tilespmem:s24], [sflag:$0x1] =	stream.linear.gather [hbm4b:s4+s2], $0x2710, $0x38;
	[tilespmem:$0x19980] =	vst v63  }
0x1f: {  	_ =	swait.ge [sflag:s21], $0x2710  }
0x20: {  	[sflag:s21] =	ssyncset.done $0x0  }
0x21: {  	[sflag:s21] =	ssyncadd.s32 $0xFFFFD8F0  }
0x22: {  	[tilespmem:s25], [sflag:$0x1] =	stream.linear.gather [hbm4b:s8+s2], $0x2710, $0x38;
	[tilespmem:$0x19980] =	vst v63  }
0x23: {  	_ =	swait.ge [sflag:s21], $0x2710  }
0x24: {  	[sflag:s21] =	ssyncset.done $0x0  }
0x25: {  	[sflag:s21] =	ssyncadd.s32 $0xFFFFD8F0  }
0x26: {  	[tilespmem:s26], [sflag:$0x1] =	stream.linear.gather [hbm4b:s9+s2], $0x2710, $0x38;
	[tilespmem:$0x19980] =	vst v63  }
0x27: {  	_ =	swait.ge [sflag:s21], $0x2710  }
0x28: {  	[sflag:s21] =	ssyncset.done $0x0  }
0x29: {  	[sflag:s21] =	ssyncadd.s32 $0xFFFFD8F0  }
0x2a: {  	[tilespmem:s28], [sflag:$0x1] =	stream.linear.gather [hbm4b:s5+s2], $0x2780, $0x38;
	[tilespmem:$0x19980] =	vst v63  }
0x2b: {  	_ =	swait.ge [sflag:s21], $0x2780  }
0x2c: {  	[sflag:s21] =	ssyncset.done $0x0  }
0x2d: {  	s1 =	simm.s32 $0x11480;
	[sflag:s21] =	ssyncadd.s32 $0xFFFFD880  }
0x2e: {  	[tilespmem:s1], [sflag:$0x1] =	stream.linear.gather [hbm4b:s10+s2], $0x12C0, $0x38;
	[tilespmem:$0x19980] =	vst v63  }
0x2f: {  	_ =	swait.ge [sflag:s21], $0x12C0  }
0x30: {  	[sflag:s21] =	ssyncset.done $0x0  }
0x31: {  	s20 =	simm.s32 $0x12780;
	[sflag:s21] =	ssyncadd.s32 $0xFFFFED40  }
0x32: {  	[tilespmem:s20], [sflag:$0x1] =	stream.linear.gather [hbm4b:s11+s2], $0x12C0, $0x38;
	[tilespmem:$0x19980] =	vst v63  }
0x33: {  	_ =	swait.ge [sflag:s21], $0x12C0  }
0x34: {  	[sflag:s21] =	ssyncset.done $0x0  }
0x35: {  	s29 =	simm.s32 $0x0;
	[sflag:s21] =	ssyncadd.s32 $0xFFFFED40  }
0x36: {  	v0 =	vld [tilespmem:s29+$0x11480]  }
0x37: {  	v1 =	vld [tilespmem:s29+$0x12780];
	_ =	sdelay $0x6  }
0x38: {  	v2 =	vld.idx.msk [tilespmem:v0+s2+$0x0], $0xffff  }
0x39: {  	v3 =	vld.idx.msk [tilespmem:v1+s24+$0x0], $0xffff;
	_ =	sdelay $0x4  }
0x3a: {  	v2 =	vadd.f32 v3, v2;
	_ =	sdelay $0x1  }
0x3b: {  	[tilespmem:s29+$0x13A80] =	vst v2  }
0x3c: {  	v2 =	vld.idx.msk [tilespmem:v0+s22+$0x0], $0xffff  }
0x3d: {  	v3 =	vld.idx.msk [tilespmem:v1+s25+$0x0], $0xffff;
	_ =	sdelay $0x4  }
0x3e: {  	v2 =	vadd.f32 v3, v2;
	_ =	sdelay $0x1  }
0x3f: {  	[tilespmem:s29+$0x14D80] =	vst v2  }
0x40: {  	v2 =	vld.idx.msk [tilespmem:v0+s23+$0x0], $0xffff  }
0x41: {  	s30 =	simm.s32 $0x10;
	v3 =	vld.idx.msk [tilespmem:v1+s26+$0x0], $0xffff  }
0x42: {  	v0 =	vld [tilespmem:s30+$0x11480]  }
0x43: {  	s20 =	simm.s32 $0x80;
	v1 =	vld [tilespmem:s30+$0x12780]  }
.LBB2_2:
0x44: {  	_ =	sdelay $0x1  }
0x45: {  	p0 =	sne.s32 s20, $0x4AC0;
	s1 =	smov.u32 s20;
	s20 =	sadd.s32 $0x40, s20  }
0x46: {  	v2 =	vadd.f32 v3, v2;
	_ =	sdelay $0x1  }
0x47: {  	[tilespmem:s29+$0x16080] =	vst v2;
	s29 =	smov.u32 s30  }
0x48: {  	v2 =	vld.idx.msk [tilespmem:v0+s2+$0x0], $0xffff  }
0x49: {  	v3 =	vld.idx.msk [tilespmem:v1+s24+$0x0], $0xffff;
	_ =	sdelay $0x5  }
0x4a: {  	v2 =	vadd.f32 v3, v2;
	_ =	sdelay $0x1  }
0x4b: {  	[tilespmem:s29+$0x13A80] =	vst v2  }
0x4c: {  	v2 =	vld.idx.msk [tilespmem:v0+s22+$0x0], $0xffff  }
0x4d: {  	v3 =	vld.idx.msk [tilespmem:v1+s25+$0x0], $0xffff;
	_ =	sdelay $0x5  }
0x4e: {  	v2 =	vadd.f32 v3, v2;
	_ =	sdelay $0x1  }
.Ltmp0:
0x4f: {  	[tilespmem:s29+$0x14D80] =	vst v2;
	(pc) =	sbr.rel @p0 .LBB2_2-.Ltmp0, $4  }
0x50: {  	v2 =	vld.idx.msk [tilespmem:v0+s23+$0x0], $0xffff  }
0x51: {  	s30 =	sshra.s32 s1, $0x2;
	v3 =	vld.idx.msk [tilespmem:v1+s26+$0x0], $0xffff  }
0x52: {  	v0 =	vld [tilespmem:s30+$0x11480]  }
0x53: {  	v1 =	vld [tilespmem:s30+$0x12780]  }
0x54: {  	_ =	sdelay $0x3  }
0x55: {  	v2 =	vadd.f32 v3, v2;
	_ =	sdelay $0x1  }
0x56: {  	[tilespmem:s29+$0x16080] =	vst v2  }
0x57: {  	v2 =	vld.idx.msk [tilespmem:v0+s2+$0x0], $0xffff  }
0x58: {  	v3 =	vld.idx.msk [tilespmem:v1+s24+$0x0], $0xffff;
	_ =	sdelay $0x4  }
0x59: {  	v2 =	vadd.f32 v3, v2;
	_ =	sdelay $0x1  }
0x5a: {  	[tilespmem:s30+$0x13A80] =	vst v2  }
0x5b: {  	v2 =	vld.idx.msk [tilespmem:v0+s22+$0x0], $0xffff  }
0x5c: {  	v3 =	vld.idx.msk [tilespmem:v1+s25+$0x0], $0xffff;
	_ =	sdelay $0x4  }
0x5d: {  	v2 =	vadd.f32 v3, v2;
	_ =	sdelay $0x1  }
0x5e: {  	[tilespmem:s30+$0x14D80] =	vst v2  }
0x5f: {  	v0 =	vld.idx.msk [tilespmem:v0+s23+$0x0], $0xffff  }
0x60: {  	v1 =	vld.idx.msk [tilespmem:v1+s26+$0x0], $0xffff;
	_ =	sdelay $0x4  }
0x61: {  	v0 =	vadd.f32 v1, v0;
	_ =	sdelay $0x1  }
0x62: {  	s1 =	simm.s32 $0x0;
	s20 =	simm.s32 $0x13A80;
	[tilespmem:s30+$0x16080] =	vst v0  }
0x63: {  	[hbm4b:s12+s1] =	stream.linear.scatter [tilespmem:s20], [sflag:$0x1], $0x12C0, $0x38;
	[tilespmem:$0x19980] =	vst v63  }
0x64: {  	_ =	swait.ge [sflag:s21], $0x12C0  }
0x65: {  	[sflag:s21] =	ssyncset.done $0x0  }
0x66: {  	s20 =	simm.s32 $0x14D80;
	[sflag:s21] =	ssyncadd.s32 $0xFFFFED40  }
0x67: {  	[hbm4b:s13+s1] =	stream.linear.scatter [tilespmem:s20], [sflag:$0x1], $0x12C0, $0x38;
	[tilespmem:$0x19980] =	vst v63  }
0x68: {  	_ =	swait.ge [sflag:s21], $0x12C0  }
0x69: {  	[sflag:s21] =	ssyncset.done $0x0  }
0x6a: {  	s20 =	simm.s32 $0x16080;
	[sflag:s21] =	ssyncadd.s32 $0xFFFFED40  }
0x6b: {  	[hbm4b:s14+s1] =	stream.linear.scatter [tilespmem:s20], [sflag:$0x1], $0x12C0, $0x38;
	[tilespmem:$0x19980] =	vst v63  }
0x6c: {  	_ =	swait.ge [sflag:s21], $0x12C0  }
0x6d: {  	[sflag:s21] =	ssyncset.done $0x0  }
0x6e: {  	s20 =	simm.s32 $0x17380;
	[sflag:s21] =	ssyncadd.s32 $0xFFFFED40  }
0x6f: {  	[tilespmem:s20], [sflag:$0x1] =	stream.linear.gather [hbm4b:s15+s1], $0xC80, $0x38;
	[tilespmem:$0x19980] =	vst v63  }
0x70: {  	_ =	swait.ge [sflag:s21], $0xC80  }
0x71: {  	[sflag:s21] =	ssyncset.done $0x0  }
0x72: {  	s20 =	simm.s32 $0x18000;
	[sflag:s21] =	ssyncadd.s32 $0xFFFFF380  }
0x73: {  	[tilespmem:s20], [sflag:$0x1] =	stream.linear.gather [hbm4b:s16+s1], $0xC80, $0x38;
	[tilespmem:$0x19980] =	vst v63  }
0x74: {  	_ =	swait.ge [sflag:s21], $0xC80  }
0x75: {  	[sflag:s21] =	ssyncset.done $0x0  }
0x76: {  	s20 =	simm.s32 $0x18C80;
	[sflag:s21] =	ssyncadd.s32 $0xFFFFF380  }
0x77: {  	[tilespmem:s20], [sflag:$0x1] =	stream.linear.gather [hbm4b:s17+s1], $0xC80, $0x38;
	[tilespmem:$0x19980] =	vst v63  }
0x78: {  	_ =	swait.ge [sflag:s21], $0xC80  }
0x79: {  	[sflag:s21] =	ssyncset.done $0x0  }
0x7a: {  	s1 =	simm.s32 $0x0;
	[sflag:s21] =	ssyncadd.s32 $0xFFFFF380  }
0x7b: {  	v0 =	vld [tilespmem:s1+$0x17380]  }
0x7c: {  	v1 =	vld [tilespmem:s1+$0x18000];
	_ =	sdelay $0x3  }
0x7d: {  	s20 =	simm.s32 $0x10  }
0x7e: {  	v2 =	vld [tilespmem:s20+$0x17380]  }
0x7f: {  	v3 =	vld [tilespmem:s20+$0x18000]  }
0x80: {  	v0 =	vld.idx.msk [tilespmem:v0+s28+$0x0], $0xffff  }
0x81: {  	v1 =	vld.idx.msk [tilespmem:v1+s28+$0x0], $0xffff;
	_ =	sdelay $0x1  }
0x82: {  	v4 =	vld [tilespmem:s1+$0x18C80];
	_ =	sdelay $0x1  }
0x83: {  	s29 =	simm.s32 $0x20  }
0x84: {  	v7 =	vld [tilespmem:s29+$0x17380];
	v0 =	vsub.f32 v0, v1  }
0x85: {  	v5 =	vld.idx.msk [tilespmem:v3+s28+$0x0], $0xffff  }
0x86: {  	vm0 =	vgt.s32 v4, $0x0;
	v3 =	vld [tilespmem:s29+$0x18000];
	v1 =	vmin.f32 v0, $-5.000000000e-01;
	v4 =	vmax.f32 v0, $5.000000000e-01  }
0x87: {  	v2 =	vld.idx.msk [tilespmem:v2+s28+$0x0], $0xffff;
	v1 =	vsel vm0, v1, v4  }
0x88: {  	v0 =	vsub.f32 v1, v0  }
0x89: {  	v1 =	vld [tilespmem:s20+$0x18C80]  }
0x8a: {  	s30 =	simm.s32 $0x30;
	v0 =	vmul.f32 v0, v0  }
0x8b: {  	p0 =	slt.u32 s31, $0x186A0;
	v4 =	vld [tilespmem:s30+$0x17380]  }
0x8c: {  	v8 =	vimm.f32 $0.0e+00;
	v6 =	vld [tilespmem:s30+$0x18000];
	v5 =	vsub.f32 v2, v5;
	v0 =	vpsel !p0, $0x0, v0  }
0x8d: {  	s1 =	simm.s32 $0x100;
	v2 =	vld.idx.msk [tilespmem:v7+s28+$0x0], $0xffff;
	s20 =	smov.u32 s31;
	v0 =	vadd.f32 v0, v8  }
.LBB2_4:
0x8e: {  	p0 =	sne.s32 s1, $0x31C0;
	v7 =	vld.idx.msk [tilespmem:v3+s28+$0x0], $0xffff;
	vm0 =	vgt.s32 v1, $0x0;
	v1 =	vmin.f32 v5, $-5.000000000e-01;
	v3 =	vmax.f32 v5, $5.000000000e-01  }
0x8f: {  	v1 =	vsel vm0, v1, v3  }
0x90: {  	v5 =	vsub.f32 v1, v5;
	v8 =	vmov v4  }
.Ltmp1:
0x91: {  	v1 =	vld [tilespmem:s29+$0x18C80];
	v3 =	vmov v6;
	s29 =	smov.u32 s30;
	(pc) =	sbr.rel @p0 .LBB2_4-.Ltmp1, $4  }
0x92: {  	s20 =	sadd.s32 $0x10, s20;
	s30 =	sshra.s32 s1, $0x2;
	v9 =	vmul.f32 v5, v5  }
0x93: {  	p1 =	slt.u32 s20, $0x186A0;
	v4 =	vld [tilespmem:s30+$0x17380]  }
0x94: {  	v5 =	vsub.f32 v2, v7;
	v6 =	vld [tilespmem:s30+$0x18000];
	v7 =	vpsel !p1, $0x0, v9  }
0x95: {  	s1 =	sadd.s32 $0x40, s1;
	v2 =	vld.idx.msk [tilespmem:v8+s28+$0x0], $0xffff;
	v0 =	vadd.f32 v7, v0  }
0x96: {  	_ =	sdelay $0x3  }
0x97: {  	v3 =	vld.idx.msk [tilespmem:v3+s28+$0x0], $0xffff  }
0x98: {  	v7 =	vld [tilespmem:s29+$0x18C80]  }
0x99: {  	v4 =	vld.idx.msk [tilespmem:v4+s28+$0x0], $0xffff  }
0x9a: {  	v6 =	vld.idx.msk [tilespmem:v6+s28+$0x0], $0xffff  }
0x9b: {  	v56 =	vld [tilespmem:s30+$0x18C80]  }
0x9c: {  	vm0 =	vgt.s32 v1, $0x0;
	v55 =	vmin.f32 v5, $-5.000000000e-01;
	v8 =	vmax.f32 v5, $5.000000000e-01  }
0x9d: {  	v1 =	vsel vm0, v55, v8;
	v2 =	vsub.f32 v2, v3  }
0x9e: {  	v1 =	vsub.f32 v1, v5;
	vm14 =	vgt.s32 v7, $0x0  }
0x9f: {  	v57 =	vmin.f32 v2, $-5.000000000e-01;
	v58 =	vmax.f32 v2, $5.000000000e-01;
	v4 =	vsub.f32 v4, v6  }
0xa0: {  	v1 =	vmul.f32 v1, v1;
	vm15 =	vgt.s32 v56, $0x0;
	v5 =	vsel vm14, v57, v58  }
0xa1: {  	s1 =	sadd.s32 $0x10, s20;
	v2 =	vsub.f32 v5, v2;
	v59 =	vmin.f32 v4, $-5.000000000e-01;
	v60 =	vmax.f32 v4, $5.000000000e-01  }
0xa2: {  	p0 =	slt.u32 s1, $0x186A0;
	v3 =	vsel vm15, v59, v60  }
0xa3: {  	s1 =	sadd.s32 $0x10, s1;
	v1 =	vpsel !p0, $0x0, v1;
	v2 =	vmul.f32 v2, v2;
	v3 =	vsub.f32 v3, v4  }
0xa4: {  	p5 =	slt.u32 s1, $0x186A0;
	v0 =	vadd.f32 v1, v0  }
0xa5: {  	s1 =	sadd.s32 $0x10, s1;
	v61 =	vpsel !p5, $0x0, v2;
	v62 =	vmul.f32 v3, v3  }
0xa6: {  	p6 =	slt.u32 s1, $0x186A0;
	v0 =	vadd.f32 v61, v0  }
0xa7: {  	v63 =	vpsel !p6, $0x0, v62  }
0xa8: {  	s0 =	sadd.s32 $0x1, s0;
	v0 =	vadd.f32 v63, v0  }
0xa9: {  	p0 =	sne.s32 s0, s19  }
.Ltmp2:
0xaa: {  	s30 =	simm.s32 $0x19900;
	[tilespmem:$0x19900] =	vst v0;
	(pc) =	sbr.rel @p0 .LBB2_1-.Ltmp2, $4  }
0xab: {  	[hbm4b:s18+s2] =	stream.linear.scatter [tilespmem:s30], [sflag:$0x1], $0x10, $0x38;
	[tilespmem:$0x19980] =	vst v63  }
0xac: {  	_ =	swait.ge [sflag:s21], $0x10  }
0xad: {  	[sflag:s21] =	ssyncset.done $0x0  }
0xae: {  	[sflag:s21] =	ssyncadd.s32 $0xFFFFFFF0  }
0xaf: {  	_ =	sfence.sel $0x180000  }
0xb0: {  	[bflag:$0x0] =	sbarrier.arrive $0xFFFF  }
0xb1: {  	_ =	strace $0x9000004A  }
0xb2: {  	s0 =	stileid.u32;
	[bflag:$0x2] =	sbarrier.arrive $0xFFFF  }
0xb3: {  	p0 =	sne.s32 s0, $0x0;
	s0 =	rddreg [dreg:$0x1]  }
0xb4: {  	s0 =	sadd.s32 @!p0 $0x100000, s0  }
0xb5: {  	[sflag:s0] =	ssyncadd.tile.s32 @!p0 $0x1;
	_ =	shalt  }
.Lfunc_end2:
_tile_overlayer_lowered:
.L_overlay_start_2:
0xb6: {  	(tag) =	ssettag $0x2  }
0xb7: {  	s0 =	rddreg [dreg:$0x0];
	s2 =	stileid.u32  }
0xb8: {  	s1 =	rddreg [dreg:$0x1];
	p0 =	sne.s32 s2, $0x0  }
0xb9: {  	s3 =	rddreg [dreg:$0x2];
	[bflag:$0x3] =	sbarrier.arrive $0xFFFF;
	s2 =	simm.s32 @!p0 $0x1C01  }
0xba: {  	[timem:s3], [sflag:s2] =	dma.local @!p0 [hbm:s0], s1  }
0xbb: {  	s0 =	simm.s32 @!p0 $0x1  }
0xbc: {  	_ =	swait.ge @!p0 [sflag:s0], s1  }
0xbd: {  	s1 =	ssub.s32 @!p0 $0x0, s1;
	[sflag:s0] =	ssyncset.done @!p0 $0x0  }
0xbe: {  	[sflag:s0] =	ssyncadd.s32 @!p0 s1  }
0xbf: {  	[bflag:$0x3] =	sbarrier.arrive $0xFFFF  }
0xc0: {  	_ =	shalt  }

// kernel: kernel.7.cloned.1.call-start
scs
__scs_entry_jumppad:
0x0: {  	(pc) =	sbr.rel $0x88, $3  }
0x1: {  	(tag) =	ssettag $0x0;
	lr =	simm.s32 $0x1  }
0x2: {  	[smem:$0x3F92] =	sst lr;
	_ =	strace $0xD0000000  }
0x3: {  	_ = 	snop  }
0x4: {  	_ = 	snop  }
0x5: {  	_ = 	snop  }
0x6: {  	_ = 	snop  }
0x7: {  	_ = 	snop  }
__scs_overlays_trampoline_lowered:
0x8: {  	[smem:$0x3FA1] =	sst s0  }
0x9: {  	[smem:$0x3FA2] =	sst s1  }
0xa: {  	[smem:$0x3FA3] =	sst s2  }
0xb: {  	[smem:$0x3FA4] =	sst s3  }
0xc: {  	[smem:$0x3FA5] =	sst s4  }
0xd: {  	[smem:$0x3FA6] =	sst s5  }
0xe: {  	[smem:$0x3FA7] =	sst s6  }
0xf: {  	[smem:$0x3FA8] =	sst s7  }
0x10: {  	[smem:$0x3FA9] =	sst s8  }
0x11: {  	[smem:$0x3FAA] =	sst s9;
	s0 =	simm.s32 @!p0 $0x0  }
0x12: {  	s1 =	sld [smem:$0x3F90];
	s0 =	simm.s32 @p0 $0x1  }
0x13: {  	[smem:$0x3FAB] =	sst s0;
	s0 =	simm.s32 @!p1 $0x0  }
0x14: {  	s2 =	sld [smem:$0x3F8F];
	s0 =	simm.s32 @p1 $0x1  }
0x15: {  	[smem:$0x3FAC] =	sst s0;
	s0 =	simm.s32 @!p2 $0x0  }
0x16: {  	s3 =	sld [smem:$0x3FDB];
	s0 =	simm.s32 @p2 $0x1  }
0x17: {  	s4 =	simm.s32 $0x1BF5;
	[smem:$0x3FAE] =	sst s0  }
0x18: {  	s0 =	sld [smem:$0x3F91];
	_ =	swait.ge [sflag:s4], $0x0  }
0x19: {  	s7 =	sld [smem:$0x3F92]  }
0x1a: {  	s8 =	sadd.s32 $0xFFFFE003, lr  }
0x1b: {  	s9 =	sadd.s32 $0xFFFFFEF7, lr;
	s5 =	simm.s32 $0xFFFFFFFF;
	p2 =	slt.u32 s8, $0xFFFFF086  }
0x1c: {  	p1 =	slt.u32 s9, $0xF7A;
	s5 =	simm.s32 @!p2 $0x0  }
0x1d: {  	s5 =	simm.s32 @p1 $0x1;
	p0 =	seq.s32 s7, s2  }
0x1e: {  	s7 =	smul.u32 @!p0 $0xF7A, s2;
	p2 =	seq.s32 @!p0 s5, $0x0  }
0x1f: {  	s9 =	smul.u32 $0xF7A, s1;
	s8 =	simm.s32 @!p0 $0x1BF5;
	p2 =	por !p2, p0  }
0x20: {  	[sflag:s8] =	ssyncset.s32 @!p0 $0xFFFFF086;
	s6 =	sadd.s32 @!p0 s3, s7;
	s7 =	simm.s32 @!p0 $0x108  }
0x21: {  	s3 =	sadd.s32 s3, s9;
	s6 =	sadd.s32 @!p0 $0x88, s6;
	s7 =	simm.s32 @p2 $0x1082  }
0x22: {  	[simem:s7], [sflag:s8] =	dma.local @!p0 [hbm:s6], $0xF7A  }
0x23: {  	s9 =	sor.u32 $0xD0000000, s2;
	s6 =	simm.s32 $0x108;
	_ =	swait.ge @!p0 [sflag:s8], $0x0  }
0x24: {  	s3 =	sadd.s32 $0x88, s3;
	s6 =	simm.s32 @!p1 $0x1082;
	[sflag:s4] =	ssyncset.s32 $0xFFFFF086  }
0x25: {  	[simem:s6], [sflag:s4] =	dma.local [hbm:s3], $0xF7A  }
0x26: {  	[smem:$0x3F92] =	sst s1;
	(tag) =	ssettag s2;
	_ =	strace s9  }
0x27: {  	s1 =	sld [smem:$0x3FA2]  }
0x28: {  	s2 =	sld [smem:$0x3FA3]  }
0x29: {  	s4 =	sld [smem:$0x3FA5]  }
0x2a: {  	p0 =	seq.s32 s5, $0x0;
	s5 =	sld [smem:$0x3FA6]  }
0x2b: {  	s6 =	sld [smem:$0x3FA7]  }
0x2c: {  	s7 =	sld [smem:$0x3FA8]  }
0x2d: {  	s3 =	simm.s32 $0x108;
	s8 =	sld [smem:$0x3FA9]  }
0x2e: {  	s3 =	simm.s32 @!p0 $0x1082;
	s9 =	sld [smem:$0x3FAA]  }
0x2f: {  	lr =	sadd.s32 s0, s3;
	s0 =	sld [smem:$0x3FA1]  }
0x30: {  	s3 =	sld [smem:$0x3FA4]  }
0x31: {  	[smem:$0x3FAD] =	sst s10  }
0x32: {  	s10 =	sld [smem:$0x3FAB];
	_ =	sdelay $0x3  }
0x33: {  	p0 =	seq.s32 s10, $0x1;
	s10 =	sld [smem:$0x3FAD];
	_ =	sdelay $0x3  }
0x34: {  	[smem:$0x3FAD] =	sst s10  }
0x35: {  	s10 =	sld [smem:$0x3FAC];
	_ =	sdelay $0x3  }
0x36: {  	p1 =	seq.s32 s10, $0x1;
	s10 =	sld [smem:$0x3FAD];
	_ =	sdelay $0x3  }
0x37: {  	[smem:$0x3FAD] =	sst s10  }
0x38: {  	s10 =	sld [smem:$0x3FAE]  }
0x39: {  	_ = 	snop;
	(pc) =	sbr.ind lr, $3  }
0x3a: {  	_ = 	snop  }
0x3b: {  	_ = 	snop  }
0x3c: {  	p2 =	seq.s32 s10, $0x1;
	s10 =	sld [smem:$0x3FAD]  }
0x3d: {  	_ =	shalt  }
0x3e: {  	_ =	shalt  }
0x3f: {  	_ =	shalt  }
0x40: {  	_ =	shalt  }
0x41: {  	_ =	shalt  }
0x42: {  	_ =	shalt  }
0x43: {  	_ =	shalt  }
0x44: {  	_ =	shalt  }
0x45: {  	_ =	shalt  }
0x46: {  	_ =	shalt  }
0x47: {  	_ =	shalt  }
0x48: {  	_ =	shalt  }
0x49: {  	_ =	shalt  }
0x4a: {  	_ =	shalt  }
0x4b: {  	_ =	shalt  }
0x4c: {  	_ =	shalt  }
0x4d: {  	_ =	shalt  }
0x4e: {  	_ =	shalt  }
0x4f: {  	_ =	shalt  }
0x50: {  	_ =	shalt  }
0x51: {  	_ =	shalt  }
0x52: {  	_ =	shalt  }
0x53: {  	_ =	shalt  }
0x54: {  	_ =	shalt  }
0x55: {  	_ =	shalt  }
0x56: {  	_ =	shalt  }
0x57: {  	_ =	shalt  }
0x58: {  	_ =	shalt  }
0x59: {  	_ =	shalt  }
0x5a: {  	_ =	shalt  }
0x5b: {  	_ =	shalt  }
0x5c: {  	_ =	shalt  }
0x5d: {  	_ =	shalt  }
0x5e: {  	_ =	shalt  }
0x5f: {  	_ =	shalt  }
0x60: {  	_ =	shalt  }
0x61: {  	_ =	shalt  }
0x62: {  	_ =	shalt  }
0x63: {  	_ =	shalt  }
0x64: {  	_ =	shalt  }
0x65: {  	_ =	shalt  }
0x66: {  	_ =	shalt  }
0x67: {  	_ =	shalt  }
0x68: {  	_ =	shalt  }
0x69: {  	_ =	shalt  }
0x6a: {  	_ =	shalt  }
0x6b: {  	_ =	shalt  }
0x6c: {  	_ =	shalt  }
0x6d: {  	_ =	shalt  }
0x6e: {  	_ =	shalt  }
0x6f: {  	_ =	shalt  }
0x70: {  	_ =	shalt  }
0x71: {  	_ =	shalt  }
0x72: {  	_ =	shalt  }
0x73: {  	_ =	shalt  }
0x74: {  	_ =	shalt  }
0x75: {  	_ =	shalt  }
0x76: {  	_ =	shalt  }
0x77: {  	_ =	shalt  }
0x78: {  	_ =	shalt  }
0x79: {  	_ =	shalt  }
0x7a: {  	_ =	shalt  }
0x7b: {  	_ =	shalt  }
0x7c: {  	_ =	shalt  }
0x7d: {  	_ =	shalt  }
0x7e: {  	_ =	shalt  }
0x7f: {  	_ =	shalt  }
0x80: {  	_ =	shalt  }
0x81: {  	_ =	shalt  }
0x82: {  	_ =	shalt  }
0x83: {  	_ =	shalt  }
0x84: {  	_ =	shalt  }
0x85: {  	_ =	shalt  }
0x86: {  	_ =	shalt  }
0x87: {  	_ =	shalt  }
.Lfunc_end0:
.L_simem_size_0:
called_computation_lowered:
.L_overlay_start_0:
0x88: {  	s2 =	sld [smem:$0x3FD9]  }
0x89: {  	s3 =	sld [smem:$0x3FFE];
	_ =	sdelay $0x1  }
0x8a: {  	s1 =	srdreg.scid  }
0x8b: {  	s0 =	sand.u32 $0x1, s1  }
0x8c: {  	s14 =	sshll.u32 s0, $0xA;
	s2 =	sadd.s32 s3, s2  }
0x8d: {  	s2 =	sadd.s32 s2, s14  }
0x8e: {  	[smem:$0x3FB9] =	sst s2  }
0x8f: {  	_ = 	snop  }
0x90: {  	s2 =	sld [smem:$0x3FD0];
	_ =	sdelay $0x2  }
0x91: {  	s15 =	simm.s32 $0xA;
	s4 =	simm.s32 $0x10  }
0x92: {  	[smem:s4], [sflag:s15] =	dma.local [hbm:s2], $0x1  }
0x93: {  	_ =	swait.eq [sflag:s15], $0x1  }
0x94: {  	[sflag:s15] =	ssyncset.done $0x0  }
0x95: {  	[sflag:s15] =	ssyncadd.s32 $0xFFFFFFFF  }
0x96: {  	s16 =	sld [smem:$0x11];
	(tm) =	ssettm $0x1  }
0x97: {  	s17 =	sld [smem:$0x3FFB];
	_ =	sdelay $0x3  }
0x98: {  	_ =	strace s17  }
0x99: {  	s3 =	sld [smem:$0x3FFC];
	_ =	sdelay $0x3  }
0x9a: {  	_ =	strace s3  }
0x9b: {  	s3 =	sld [smem:$0x3FFD];
	_ =	sdelay $0x3  }
0x9c: {  	_ =	strace s3  }
0x9d: {  	_ =	strace $0x8FFFFFFF  }
0x9e: {  	s18 =	sld [smem:$0x3FDB];
	_ =	sdelay $0x1  }
0x9f: {  	s19 =	simm.s32 $_scs_section_size  }
0xa0: {  	s5 =	simm.s32 $_size__tile_overlayer_lowered;
	s6 =	simm.s32 $_tile_overlayer_lowered  }
0xa1: {  	s22 =	simm.s32 $0x1BFF;
	s21 =	sshll.u32 s6, $0x1;
	s3 =	sadd.s32 s19, s18  }
0xa2: {  	s7 =	simm.s32 $0x0;
	s20 =	sshll.u32 s5, $0x1;
	s5 =	sadd.s32 s21, s3  }
0xa3: {  	[timem:s7], [sflag:s22] =	dma.local [hbm:s5], s20  }
0xa4: {  	_ =	swait.ge [sflag:s22], s20  }
0xa5: {  	s4 =	ssub.s32 $0x0, s20;
	[sflag:s22] =	ssyncset.done $0x0  }
0xa6: {  	[sflag:s22] =	ssyncadd.s32 s4;
	_ =	sdelay $0x1  }
0xa7: {  	s23 =	simm.s32 $0x1B8B  }
0xa8: {  	_ =	swait.ge [sflag:s23], $0x1  }
0xa9: {  	[sflag:s23] =	ssyncset.done $0x0  }
0xaa: {  	s25 =	simm.s32 $0x1B8E;
	s24 =	sld [smem:$0x3FFE];
	[sflag:s23] =	ssyncadd.s32 $0xFFFFFFFF  }
0xab: {  	s26 =	simm.s32 $execute0_lowered;
	[smem:$0x3FD2] =	sst s25  }
0xac: {  	s5 =	sshll.u32 s26, $0x1;
	_ =	strace $0x80000046;
	[dreg:$0x1] =	wrdreg $0xFFFFFFFF  }
0xad: {  	s28 =	simm.s32 $_size_execute0_lowered;
	s3 =	sadd.s32 s3, s5;
	[dreg:$0x0] =	wrdreg $0x0  }
0xae: {  	s5 =	sshll.u32 s28, $0x1;
	[dreg:$0x2] =	wrdreg s3  }
0xaf: {  	[dreg:$0x3] =	wrdreg s5  }
0xb0: {  	[dreg:$0x4] =	wrdreg $0xC0  }
0xb1: {  	_ =	task [dreg:s7], $0x5FFFF  }
0xb2: {  	[dreg:$0x1] =	wrdreg $0xFFFFFFFF  }
0xb3: {  	[dreg:$0x0] =	wrdreg $0x60  }
0xb4: {  	[dreg:$0x2] =	wrdreg s16  }
0xb5: {  	[dreg:$0x3] =	wrdreg s24  }
0xb6: {  	[dreg:$0x4] =	wrdreg $0x9  }
0xb7: {  	_ =	task.clear_ibuf [dreg:s7], $0x5FFFF;
	_ =	strace $0x90000046  }
0xb8: {  	s29 =	simm.s32 $0x9;
	_ =	strace $0x80000048  }
0xb9: {  	_ =	swait.ge [sflag:s29], $0x1  }
0xba: {  	[sflag:s29] =	ssyncadd.s32 $0xFFFFFFFF  }
0xbb: {  	_ =	strace $0x90000048  }
0xbc: {  	_ =	sfence  }
0xbd: {  	s30 =	sld [smem:$0x0];
	_ =	sdelay $0x2  }
0xbe: {  	s31 =	sshll.u32 s1, $0xD;
	s1 =	sshrl.u32 s1, $0x2  }
0xbf: {  	s3 =	sand.u32 $0x4000, s31;
	s1 =	sadd.s32 s1, s30  }
0xc0: {  	s0 =	sor.u32 s3, s0;
	s1 =	sshll.u32 s1, $0x11  }
0xc1: {  	s0 =	sor.u32 s1, s0  }
0xc2: {  	s0 =	sadd.s32 $0x8F2B, s0  }
0xc3: {  	[sflag:s0] =	ssyncadd.remote.s32 $0x1  }
0xc4: {  	_ =	sfence.sel $0xFFFF  }
0xc5: {  	[dreg:$0x0] =	wrdreg $0xFFFFFFFF;
	(pc) =	sbr.abs _section_cstart, $3  }
0xc6: {  	[dreg:$0x1] =	wrdreg $0xFFFFFFFF  }
0xc7: {  	_ =	task.clear_ibuf [dreg:s7], $0x2FFFF;
	_ =	strace $0x9FFFFFFF  }
0xc8: {  	(tm) =	ssettm $0x7FFFFFFF  }
0xc9: {  	_ =	shalt  }
tec
execute0_lowered:
.L_overlay_start_1:
0x0: {  	(tag) =	ssettag $0x1  }
0x1: {  	s0 =	rddreg [dreg:$0x0]  }
0x2: {  	s6 =	rddreg [dreg:$0x1]  }
0x3: {  	s2 =	simm.s32 $0x0;
	s3 =	srdreg.scid;
	s1 =	stileid.u32  }
0x4: {  	s15 =	simm.s32 $0x2780;
	s16 =	simm.s32 $0x13C00;
	s17 =	simm.s32 $0x16B00  }
0x5: {  	s18 =	simm.s32 $0x1;
	s19 =	simm.s32 $0x4F00;
	s20 =	simm.s32 $0x7680  }
0x6: {  	s21 =	simm.s32 $0x2;
	s22 =	simm.s32 $0x9E00;
	s23 =	simm.s32 $0xC580  }
0x7: {  	s24 =	simm.s32 $0x11480;
	s26 =	simm.s32 $0x0;
	[smem:$0x7FF] =	sst s2  }
0x8: {  	s9 =	sand.u32 $0x1, s3;
	s31 =	sshll.u32 s1, $0x1;
	s3 =	sadd.s32 $0x1600, s6  }
0x9: {  	s4 =	sadd.s32 $0x10E00, s6;
	s10 =	sadd.s32 $0x20600, s6;
	s12 =	sadd.s32 $0x34000, s6  }
0xa: {  	s5 =	sadd.s32 $0x47A00, s6;
	s6 =	sadd.s32 $0x48000, s6;
	s25 =	sor.u32 s9, s31  }
0xb: {  	_ =	strace $0x80000047;
	s8 =	ssub.s32 $0x2, s9;
	s7 =	smul.u32 $0x4E20, s25  }
0xc: {  	p0 =	seq.s32 s9, $0x1;
	s11 =	smul.u32 $0x9C4, s25;
	s13 =	sshrl.u32 s8, $0x1  }
.Ltmp0:
0xd: {  	p1 =	seq.s32 s25, $0x1;
	p2 =	sne.s32 s25, $0x0;
	(pc) =	sbr.rel .LBB2_1-.Ltmp0, $4  }
0xe: {  	s25 =	simm.s32 $0xED00;
	s13 =	ssub.s32 s8, s13;
	s7 =	sshrl.u32 s7, $0x3  }
0xf: {  	s9 =	sadd.s32 s10, s11;
	s13 =	smax.u32 s13, $0x1;
	s14 =	sadd.s32 $0x4E2, s7  }
0x10: {  	s7 =	sadd.s32 s0, s11;
	s11 =	sadd.s32 s12, s11;
	s8 =	sadd.s32 s0, s14  }
0x11: {  	v0 =	vimm.f32 $0.0e+00;
	v1 =	vimm.f32 $1.000000000e+00;
	s10 =	sadd.s32 s10, s14;
	s12 =	sadd.s32 s12, s14;
	s14 =	simm.s32 $0x3  }
.LBB2_29:
0x12: {  	[hbm4b:s6+s2] =	stream.linear.scatter [tilespmem:s24], [sflag:$0x3], $0x2780, $0x38;
	[tilespmem:$0x19A00] =	vst v63  }
.LBB2_30:
0x13: {  	_ =	swait.ge [sflag:s14], $0x2780  }
0x14: {  	[sflag:s14] =	ssyncset.done $0x0  }
0x15: {  	[sflag:s14] =	ssyncadd.s32 $0xFFFFD880  }
.LBB2_31:
0x16: {  	s26 =	sadd.s32 $0x1, s26  }
0x17: {  	p3 =	sne.s32 s26, s13  }
.Ltmp1:
0x18: {  	_ = 	snop;
	(pc) =	sbr.rel @!p3 .LBB2_32-.Ltmp1, $1  }
0x19: {  	_ =	sdelay $0x3  }
.LBB2_1:
0x1a: {  	[tilespmem:s2], [sflag:$0x3] =	stream.linear.gather [hbm4b:s7+s2], $0x2710, $0x38;
	[tilespmem:$0x19A00] =	vst v63  }
0x1b: {  	_ =	swait.ge [sflag:s14], $0x2710  }
0x1c: {  	[sflag:s14] =	ssyncset.done $0x0  }
0x1d: {  	[sflag:s14] =	ssyncadd.s32 $0xFFFFD8F0  }
0x1e: {  	[tilespmem:s15], [sflag:$0x3] =	stream.linear.gather [hbm4b:s8+s2], $0x2710, $0x38;
	[tilespmem:$0x19A00] =	vst v63  }
0x1f: {  	_ =	swait.ge [sflag:s14], $0x2710  }
0x20: {  	[sflag:s14] =	ssyncset.done $0x0  }
0x21: {  	s0 =	simm.s32 $0x0;
	[sflag:s14] =	ssyncadd.s32 $0xFFFFD8F0  }
0x22: {  	[tilespmem:s0+$0x11480] =	vst v0  }
0x23: {  	[tilespmem:s0+$0x4F00] =	vst v0  }
0x24: {  	[tilespmem:s0+$0x7680] =	vst v0  }
0x25: {  	[tilespmem:s0+$0x9E00] =	vst v0  }
0x26: {  	s28 =	simm.s32 $0x40;
	[tilespmem:s0+$0xC580] =	vst v0  }
.LBB2_2:
0x27: {  	p3 =	sne.s32 s28, $0x9C00;
	[tilespmem:s0+$0xED00] =	vst v0;
	s0 =	sshra.s32 s28, $0x2;
	s28 =	sadd.s32 $0x40, s28  }
.Ltmp2:
0x28: {  	[tilespmem:s0+$0x11480] =	vst v0;
	(pc) =	sbr.rel @p3 .LBB2_2-.Ltmp2, $4  }
0x29: {  	[tilespmem:s0+$0x4F00] =	vst v0  }
0x2a: {  	[tilespmem:s0+$0x7680] =	vst v0  }
0x2b: {  	[tilespmem:s0+$0x9E00] =	vst v0  }
0x2c: {  	[tilespmem:s0+$0xC580] =	vst v0  }
.Ltmp3:
0x2d: {  	(pc) =	sbr.rel @!p0 .LBB2_4-.Ltmp3, $3  }
0x2e: {  	_ =	sdelay $0x1  }
0x2f: {  	[tilespmem:s0+$0xED00] =	vst v0;
	s28 =	simm.s32 $0x0;
	s29 =	simm.s32 $0x0;
	s30 =	simm.s32 $0x0  }
0x30: {  	[tilespmem:s16], [sflag:$0x1] =	stream.linear.gather [hbm4b:s3+s28], $0x2EE0, $0x38;
	[tilespmem:$0x19A00] =	vst v63  }
.LBB2_15:
0x31: {  	s0 =	smul.u32 $0x5DC0, s30;
	_ =	sdelay $0x1  }
0x32: {  	s0 =	sshrl.u32 s0, $0x3  }
0x33: {  	s29 =	sadd.s32 s3, s0  }
0x34: {  	s0 =	sadd.s32 $0x5DC, s29  }
0x35: {  	[tilespmem:s17], [sflag:$0x2] =	stream.linear.gather [hbm4b:s0+s28], $0x2EE0, $0x38;
	[tilespmem:$0x19A00] =	vst v63  }
0x36: {  	_ =	swait.ge [sflag:s18], $0x2EE0  }
0x37: {  	[sflag:s18] =	ssyncset.done $0x0  }
0x38: {  	s31 =	simm.s32 $0x40;
	s0 =	simm.s32 $0x0;
	[sflag:s18] =	ssyncadd.s32 $0xFFFFD120  }
.LBB2_16:
0x39: {  	p3 =	sne.s32 s31, $0x3E40;
	v2 =	vld [tilespmem:s0+$0x13C00];
	_ =	sdelay $0x6  }
0x3a: {  	v3 =	vld [tilespmem:s0+$0x14BA0]  }
0x3b: {  	v4 =	vld.idx.msk [tilespmem:v2+s2+$0x0], $0xffff  }
0x3c: {  	v5 =	vld [tilespmem:s0+$0x15B40];
	_ =	sdelay $0x4  }
0x3d: {  	v4 =	vmul.f32 v4, v5;
	_ =	sdelay $0x1  }
0x3e: {  	[tilespmem:v3+s19+$0x0] =	vst.idx.add.f32.msk $0xffff, v4  }
0x3f: {  	v2 =	vld.idx.msk [tilespmem:v2+s15+$0x0], $0xffff;
	_ =	sdelay $0x3  }
.Ltmp4:
0x40: {  	(pc) =	sbr.rel @p3 .LBB2_16-.Ltmp4, $3  }
0x41: {  	_ = 	snop  }
0x42: {  	v2 =	vmul.f32 v2, v5;
	_ =	sdelay $0x1  }
0x43: {  	s0 =	sshra.s32 s31, $0x2;
	s31 =	sadd.s32 $0x40, s31;
	[tilespmem:v3+s20+$0x0] =	vst.idx.add.f32.msk $0xffff, v2  }
0x44: {  	v2 =	vld [tilespmem:s0+$0x13C00];
	_ =	sdelay $0x5  }
0x45: {  	v3 =	vld [tilespmem:s0+$0x14BA0]  }
0x46: {  	v5 =	vld [tilespmem:s0+$0x15B40]  }
0x47: {  	v4 =	vld.idx.msk [tilespmem:v2+s2+$0x0], $0xffff;
	_ =	sdelay $0x4  }
0x48: {  	v4 =	vmul.f32 v4, v5;
	_ =	sdelay $0x1  }
0x49: {  	[tilespmem:v3+s19+$0x0] =	vst.idx.add.f32.msk $0xffff, v4  }
0x4a: {  	v2 =	vld.idx.msk [tilespmem:v2+s15+$0x0], $0xffff;
	_ =	sdelay $0x4  }
0x4b: {  	v2 =	vmul.f32 v2, v5;
	_ =	sdelay $0x1  }
0x4c: {  	s31 =	sadd.s32 $0xBB8, s29;
	s29 =	simm.s32 $0x0;
	[tilespmem:v3+s20+$0x0] =	vst.idx.add.f32.msk $0xffff, v2  }
0x4d: {  	[tilespmem:s16], [sflag:$0x1] =	stream.linear.gather [hbm4b:s31+s29], $0x2EE0, $0x38;
	[tilespmem:$0x19A00] =	vst v63  }
0x4e: {  	_ =	swait.ge [sflag:s21], $0x2EE0  }
0x4f: {  	[sflag:s21] =	ssyncset.done $0x0  }
0x50: {  	s0 =	simm.s32 $0x0;
	s29 =	simm.s32 $0x40;
	[sflag:s21] =	ssyncadd.s32 $0xFFFFD120  }
.LBB2_18:
0x51: {  	p3 =	sne.s32 s29, $0x3E40;
	v2 =	vld [tilespmem:s0+$0x16B00];
	_ =	sdelay $0x6  }
0x52: {  	v3 =	vld [tilespmem:s0+$0x17AA0]  }
0x53: {  	v4 =	vld.idx.msk [tilespmem:v2+s2+$0x0], $0xffff  }
0x54: {  	v5 =	vld [tilespmem:s0+$0x18A40];
	_ =	sdelay $0x4  }
0x55: {  	v4 =	vmul.f32 v4, v5;
	_ =	sdelay $0x1  }
0x56: {  	[tilespmem:v3+s19+$0x0] =	vst.idx.add.f32.msk $0xffff, v4  }
0x57: {  	v2 =	vld.idx.msk [tilespmem:v2+s15+$0x0], $0xffff;
	_ =	sdelay $0x3  }
.Ltmp5:
0x58: {  	(pc) =	sbr.rel @p3 .LBB2_18-.Ltmp5, $3  }
0x59: {  	_ = 	snop  }
0x5a: {  	v2 =	vmul.f32 v2, v5;
	_ =	sdelay $0x1  }
0x5b: {  	s0 =	sshra.s32 s29, $0x2;
	s29 =	sadd.s32 $0x40, s29;
	[tilespmem:v3+s20+$0x0] =	vst.idx.add.f32.msk $0xffff, v2  }
0x5c: {  	v2 =	vld [tilespmem:s0+$0x16B00];
	_ =	sdelay $0x5  }
0x5d: {  	v3 =	vld [tilespmem:s0+$0x17AA0]  }
0x5e: {  	v5 =	vld [tilespmem:s0+$0x18A40]  }
0x5f: {  	v4 =	vld.idx.msk [tilespmem:v2+s2+$0x0], $0xffff;
	_ =	sdelay $0x4  }
0x60: {  	v4 =	vmul.f32 v4, v5;
	_ =	sdelay $0x1  }
0x61: {  	[tilespmem:v3+s19+$0x0] =	vst.idx.add.f32.msk $0xffff, v4  }
0x62: {  	v2 =	vld.idx.msk [tilespmem:v2+s15+$0x0], $0xffff  }
0x63: {  	s30 =	sadd.s32 $0x1, s30  }
0x64: {  	p3 =	sne.s32 s30, $0x14  }
.Ltmp6:
0x65: {  	_ = 	snop;
	(pc) =	sbr.rel @p3 .LBB2_15-.Ltmp6, $3  }
0x66: {  	_ = 	snop  }
0x67: {  	v2 =	vmul.f32 v2, v5;
	_ =	sdelay $0x1  }
0x68: {  	[tilespmem:v3+s20+$0x0] =	vst.idx.add.f32.msk $0xffff, v2  }
0x69: {  	_ =	swait.ge [sflag:s18], $0x2EE0  }
0x6a: {  	[sflag:s18] =	ssyncset.done $0x0  }
0x6b: {  	s28 =	simm.s32 $0x0;
	s29 =	simm.s32 $0x0;
	[sflag:s18] =	ssyncadd.s32 $0xFFFFD120  }
0x6c: {  	[tilespmem:s16], [sflag:$0x1] =	stream.linear.gather [hbm4b:s4+s28], $0x2EE0, $0x38;
	[tilespmem:$0x19A00] =	vst v63  }
.LBB2_21:
0x6d: {  	s0 =	smul.u32 $0x5DC0, s29;
	_ =	sdelay $0x1  }
0x6e: {  	s0 =	sshrl.u32 s0, $0x3  }
0x6f: {  	s30 =	sadd.s32 s4, s0  }
0x70: {  	s0 =	sadd.s32 $0x5DC, s30  }
0x71: {  	[tilespmem:s17], [sflag:$0x2] =	stream.linear.gather [hbm4b:s0+s28], $0x2EE0, $0x38;
	[tilespmem:$0x19A00] =	vst v63  }
0x72: {  	_ =	swait.ge [sflag:s18], $0x2EE0  }
0x73: {  	[sflag:s18] =	ssyncset.done $0x0  }
0x74: {  	s0 =	simm.s32 $0x0;
	[sflag:s18] =	ssyncadd.s32 $0xFFFFD120  }
0x75: {  	s31 =	simm.s32 $0x40;
	v2 =	vld [tilespmem:s0+$0x13C00]  }
.LBB2_22:
0x76: {  	p3 =	sne.s32 s31, $0x3E40;
	v3 =	vld [tilespmem:s0+$0x15B40]  }
0x77: {  	v4 =	vld [tilespmem:s0+$0x14BA0];
	_ =	sdelay $0x5  }
0x78: {  	v5 =	vld.idx.msk [tilespmem:v2+s2+$0x0], $0xffff;
	_ =	sdelay $0x5  }
0x79: {  	v5 =	vmul.f32 v5, v3;
	_ =	sdelay $0x1  }
0x7a: {  	[tilespmem:v4+s22+$0x0] =	vst.idx.add.f32.msk $0xffff, v5  }
0x7b: {  	v2 =	vld.idx.msk [tilespmem:v2+s15+$0x0], $0xffff;
	_ =	sdelay $0x5  }
.Ltmp7:
0x7c: {  	v2 =	vmul.f32 v2, v3;
	(pc) =	sbr.rel @p3 .LBB2_22-.Ltmp7, $4  }
0x7d: {  	_ = 	snop  }
0x7e: {  	[tilespmem:v4+s23+$0x0] =	vst.idx.add.f32.msk $0xffff, v2  }
0x7f: {  	s0 =	sshra.s32 s31, $0x2;
	[tilespmem:v4+s24+$0x0] =	vst.idx.add.f32.msk $0xffff, v1  }
0x80: {  	s31 =	sadd.s32 $0x40, s31;
	v2 =	vld [tilespmem:s0+$0x13C00]  }
0x81: {  	_ =	sdelay $0x5  }
0x82: {  	v3 =	vld [tilespmem:s0+$0x15B40]  }
0x83: {  	v4 =	vld [tilespmem:s0+$0x14BA0]  }
0x84: {  	v5 =	vld.idx.msk [tilespmem:v2+s2+$0x0], $0xffff;
	_ =	sdelay $0x4  }
0x85: {  	v5 =	vmul.f32 v5, v3;
	_ =	sdelay $0x1  }
0x86: {  	[tilespmem:v4+s22+$0x0] =	vst.idx.add.f32.msk $0xffff, v5  }
0x87: {  	v2 =	vld.idx.msk [tilespmem:v2+s15+$0x0], $0xffff;
	_ =	sdelay $0x4  }
0x88: {  	v2 =	vmul.f32 v2, v3;
	_ =	sdelay $0x1  }
0x89: {  	[tilespmem:v4+s23+$0x0] =	vst.idx.add.f32.msk $0xffff, v2  }
0x8a: {  	s31 =	sadd.s32 $0xBB8, s30;
	s30 =	simm.s32 $0x0;
	[tilespmem:v4+s24+$0x0] =	vst.idx.add.f32.msk $0xffff, v1  }
0x8b: {  	[tilespmem:s16], [sflag:$0x1] =	stream.linear.gather [hbm4b:s31+s30], $0x2EE0, $0x38;
	[tilespmem:$0x19A00] =	vst v63  }
0x8c: {  	_ =	swait.ge [sflag:s21], $0x2EE0  }
0x8d: {  	[sflag:s21] =	ssyncset.done $0x0  }
0x8e: {  	s0 =	simm.s32 $0x0;
	[sflag:s21] =	ssyncadd.s32 $0xFFFFD120  }
0x8f: {  	s30 =	simm.s32 $0x40;
	v2 =	vld [tilespmem:s0+$0x16B00]  }
.LBB2_24:
0x90: {  	p3 =	sne.s32 s30, $0x3E40;
	v3 =	vld [tilespmem:s0+$0x18A40]  }
0x91: {  	v4 =	vld [tilespmem:s0+$0x17AA0];
	_ =	sdelay $0x5  }
0x92: {  	v5 =	vld.idx.msk [tilespmem:v2+s2+$0x0], $0xffff;
	_ =	sdelay $0x5  }
0x93: {  	v5 =	vmul.f32 v5, v3;
	_ =	sdelay $0x1  }
0x94: {  	[tilespmem:v4+s22+$0x0] =	vst.idx.add.f32.msk $0xffff, v5  }
0x95: {  	v2 =	vld.idx.msk [tilespmem:v2+s15+$0x0], $0xffff;
	_ =	sdelay $0x5  }
.Ltmp8:
0x96: {  	v2 =	vmul.f32 v2, v3;
	(pc) =	sbr.rel @p3 .LBB2_24-.Ltmp8, $4  }
0x97: {  	_ = 	snop  }
0x98: {  	[tilespmem:v4+s23+$0x0] =	vst.idx.add.f32.msk $0xffff, v2  }
0x99: {  	s0 =	sshra.s32 s30, $0x2;
	[tilespmem:v4+s24+$0x0] =	vst.idx.add.f32.msk $0xffff, v1  }
0x9a: {  	s30 =	sadd.s32 $0x40, s30;
	v2 =	vld [tilespmem:s0+$0x16B00]  }
0x9b: {  	_ =	sdelay $0x5  }
0x9c: {  	v3 =	vld [tilespmem:s0+$0x18A40]  }
0x9d: {  	v4 =	vld [tilespmem:s0+$0x17AA0]  }
0x9e: {  	v5 =	vld.idx.msk [tilespmem:v2+s2+$0x0], $0xffff;
	_ =	sdelay $0x4  }
0x9f: {  	v5 =	vmul.f32 v5, v3;
	_ =	sdelay $0x1  }
0xa0: {  	[tilespmem:v4+s22+$0x0] =	vst.idx.add.f32.msk $0xffff, v5  }
0xa1: {  	v2 =	vld.idx.msk [tilespmem:v2+s15+$0x0], $0xffff;
	_ =	sdelay $0x1  }
0xa2: {  	s29 =	sadd.s32 $0x1, s29  }
0xa3: {  	p3 =	sne.s32 s29, $0x14  }
.Ltmp9:
0xa4: {  	_ = 	snop;
	(pc) =	sbr.rel @p3 .LBB2_21-.Ltmp9, $4  }
.Ltmp10:
0xa5: {  	v2 =	vmul.f32 v2, v3;
	(pc) =	sbr.rel @!p3 .LBB2_26-.Ltmp10, $4  }
0xa6: {  	_ = 	snop  }
0xa7: {  	[tilespmem:v4+s23+$0x0] =	vst.idx.add.f32.msk $0xffff, v2  }
0xa8: {  	[tilespmem:v4+s24+$0x0] =	vst.idx.add.f32.msk $0xffff, v1  }
0xa9: {  	_ = 	snop  }
.LBB2_4:
0xaa: {  	s0 =	smul.u32 $0x5DC0, s29;
	_ =	sdelay $0x1  }
0xab: {  	s0 =	sshrl.u32 s0, $0x3  }
0xac: {  	s30 =	sadd.s32 s3, s0  }
0xad: {  	s0 =	sadd.s32 $0x5DC, s30  }
0xae: {  	[tilespmem:s17], [sflag:$0x2] =	stream.linear.gather [hbm4b:s0+s28], $0x2EE0, $0x38;
	[tilespmem:$0x19A00] =	vst v63  }
0xaf: {  	_ =	swait.ge [sflag:s18], $0x2EE0  }
0xb0: {  	[sflag:s18] =	ssyncset.done $0x0  }
0xb1: {  	s0 =	simm.s32 $0x0;
	[sflag:s18] =	ssyncadd.s32 $0xFFFFD120  }
0xb2: {  	s31 =	simm.s32 $0x40;
	v2 =	vld [tilespmem:s0+$0x13C00]  }
.LBB2_5:
0xb3: {  	p3 =	sne.s32 s31, $0x3E40;
	v3 =	vld [tilespmem:s0+$0x15B40]  }
0xb4: {  	v4 =	vld [tilespmem:s0+$0x14BA0];
	_ =	sdelay $0x5  }
0xb5: {  	v5 =	vld.idx.msk [tilespmem:v2+s2+$0x0], $0xffff;
	_ =	sdelay $0x5  }
0xb6: {  	v5 =	vmul.f32 v5, v3;
	_ =	sdelay $0x1  }
0xb7: {  	[tilespmem:v4+s19+$0x0] =	vst.idx.add.f32.msk $0xffff, v5  }
0xb8: {  	v2 =	vld.idx.msk [tilespmem:v2+s15+$0x0], $0xffff;
	_ =	sdelay $0x5  }
.Ltmp11:
0xb9: {  	v2 =	vmul.f32 v2, v3;
	(pc) =	sbr.rel @p3 .LBB2_5-.Ltmp11, $4  }
0xba: {  	_ = 	snop  }
0xbb: {  	[tilespmem:v4+s20+$0x0] =	vst.idx.add.f32.msk $0xffff, v2  }
0xbc: {  	s0 =	sshra.s32 s31, $0x2;
	[tilespmem:v4+s25+$0x0] =	vst.idx.add.f32.msk $0xffff, v1  }
0xbd: {  	s31 =	sadd.s32 $0x40, s31;
	v2 =	vld [tilespmem:s0+$0x13C00]  }
0xbe: {  	_ =	sdelay $0x5  }
0xbf: {  	v3 =	vld [tilespmem:s0+$0x15B40]  }
0xc0: {  	v4 =	vld [tilespmem:s0+$0x14BA0]  }
0xc1: {  	v5 =	vld.idx.msk [tilespmem:v2+s2+$0x0], $0xffff;
	_ =	sdelay $0x4  }
0xc2: {  	v5 =	vmul.f32 v5, v3;
	_ =	sdelay $0x1  }
0xc3: {  	[tilespmem:v4+s19+$0x0] =	vst.idx.add.f32.msk $0xffff, v5  }
0xc4: {  	v2 =	vld.idx.msk [tilespmem:v2+s15+$0x0], $0xffff;
	_ =	sdelay $0x4  }
0xc5: {  	v2 =	vmul.f32 v2, v3;
	_ =	sdelay $0x1  }
0xc6: {  	[tilespmem:v4+s20+$0x0] =	vst.idx.add.f32.msk $0xffff, v2  }
0xc7: {  	s31 =	sadd.s32 $0xBB8, s30;
	s30 =	simm.s32 $0x0;
	[tilespmem:v4+s25+$0x0] =	vst.idx.add.f32.msk $0xffff, v1  }
0xc8: {  	[tilespmem:s16], [sflag:$0x1] =	stream.linear.gather [hbm4b:s31+s30], $0x2EE0, $0x38;
	[tilespmem:$0x19A00] =	vst v63  }
0xc9: {  	_ =	swait.ge [sflag:s21], $0x2EE0  }
0xca: {  	[sflag:s21] =	ssyncset.done $0x0  }
0xcb: {  	s0 =	simm.s32 $0x0;
	[sflag:s21] =	ssyncadd.s32 $0xFFFFD120  }
0xcc: {  	s30 =	simm.s32 $0x40;
	v2 =	vld [tilespmem:s0+$0x16B00]  }
.LBB2_7:
0xcd: {  	p3 =	sne.s32 s30, $0x3E40;
	v3 =	vld [tilespmem:s0+$0x18A40]  }
0xce: {  	v4 =	vld [tilespmem:s0+$0x17AA0];
	_ =	sdelay $0x5  }
0xcf: {  	v5 =	vld.idx.msk [tilespmem:v2+s2+$0x0], $0xffff;
	_ =	sdelay $0x5  }
0xd0: {  	v5 =	vmul.f32 v5, v3;
	_ =	sdelay $0x1  }
0xd1: {  	[tilespmem:v4+s19+$0x0] =	vst.idx.add.f32.msk $0xffff, v5  }
0xd2: {  	v2 =	vld.idx.msk [tilespmem:v2+s15+$0x0], $0xffff;
	_ =	sdelay $0x5  }
.Ltmp12:
0xd3: {  	v2 =	vmul.f32 v2, v3;
	(pc) =	sbr.rel @p3 .LBB2_7-.Ltmp12, $4  }
0xd4: {  	_ = 	snop  }
0xd5: {  	[tilespmem:v4+s20+$0x0] =	vst.idx.add.f32.msk $0xffff, v2  }
0xd6: {  	s0 =	sshra.s32 s30, $0x2;
	[tilespmem:v4+s25+$0x0] =	vst.idx.add.f32.msk $0xffff, v1  }
0xd7: {  	s30 =	sadd.s32 $0x40, s30;
	v2 =	vld [tilespmem:s0+$0x16B00]  }
0xd8: {  	_ =	sdelay $0x5  }
0xd9: {  	v3 =	vld [tilespmem:s0+$0x18A40]  }
0xda: {  	v4 =	vld [tilespmem:s0+$0x17AA0]  }
0xdb: {  	v5 =	vld.idx.msk [tilespmem:v2+s2+$0x0], $0xffff;
	_ =	sdelay $0x4  }
0xdc: {  	v5 =	vmul.f32 v5, v3;
	_ =	sdelay $0x1  }
0xdd: {  	[tilespmem:v4+s19+$0x0] =	vst.idx.add.f32.msk $0xffff, v5  }
0xde: {  	v2 =	vld.idx.msk [tilespmem:v2+s15+$0x0], $0xffff;
	_ =	sdelay $0x1  }
0xdf: {  	s29 =	sadd.s32 $0x1, s29  }
0xe0: {  	p3 =	sne.s32 s29, $0x14  }
.Ltmp13:
0xe1: {  	_ = 	snop;
	(pc) =	sbr.rel @p3 .LBB2_4-.Ltmp13, $3  }
0xe2: {  	v2 =	vmul.f32 v2, v3;
	_ =	sdelay $0x1  }
0xe3: {  	[tilespmem:v4+s20+$0x0] =	vst.idx.add.f32.msk $0xffff, v2  }
0xe4: {  	[tilespmem:v4+s25+$0x0] =	vst.idx.add.f32.msk $0xffff, v1  }
0xe5: {  	_ =	swait.ge [sflag:s18], $0x2EE0  }
0xe6: {  	[sflag:s18] =	ssyncset.done $0x0  }
0xe7: {  	s28 =	simm.s32 $0x0;
	s29 =	simm.s32 $0x0;
	[sflag:s18] =	ssyncadd.s32 $0xFFFFD120  }
0xe8: {  	[tilespmem:s16], [sflag:$0x1] =	stream.linear.gather [hbm4b:s4+s28], $0x2EE0, $0x38;
	[tilespmem:$0x19A00] =	vst v63  }
.LBB2_10:
0xe9: {  	s0 =	smul.u32 $0x5DC0, s29;
	_ =	sdelay $0x1  }
0xea: {  	s0 =	sshrl.u32 s0, $0x3  }
0xeb: {  	s30 =	sadd.s32 s4, s0  }
0xec: {  	s0 =	sadd.s32 $0x5DC, s30  }
0xed: {  	[tilespmem:s17], [sflag:$0x2] =	stream.linear.gather [hbm4b:s0+s28], $0x2EE0, $0x38;
	[tilespmem:$0x19A00] =	vst v63  }
0xee: {  	_ =	swait.ge [sflag:s18], $0x2EE0  }
0xef: {  	[sflag:s18] =	ssyncset.done $0x0  }
0xf0: {  	s31 =	simm.s32 $0x40;
	s0 =	simm.s32 $0x0;
	[sflag:s18] =	ssyncadd.s32 $0xFFFFD120  }
.LBB2_11:
0xf1: {  	p3 =	sne.s32 s31, $0x3E40;
	v2 =	vld [tilespmem:s0+$0x13C00];
	_ =	sdelay $0x6  }
0xf2: {  	v3 =	vld [tilespmem:s0+$0x14BA0]  }
0xf3: {  	v4 =	vld.idx.msk [tilespmem:v2+s2+$0x0], $0xffff  }
0xf4: {  	v5 =	vld [tilespmem:s0+$0x15B40];
	_ =	sdelay $0x4  }
0xf5: {  	v4 =	vmul.f32 v4, v5;
	_ =	sdelay $0x1  }
0xf6: {  	[tilespmem:v3+s22+$0x0] =	vst.idx.add.f32.msk $0xffff, v4  }
0xf7: {  	v2 =	vld.idx.msk [tilespmem:v2+s15+$0x0], $0xffff;
	_ =	sdelay $0x3  }
.Ltmp14:
0xf8: {  	(pc) =	sbr.rel @p3 .LBB2_11-.Ltmp14, $3  }
0xf9: {  	_ = 	snop  }
0xfa: {  	v2 =	vmul.f32 v2, v5;
	_ =	sdelay $0x1  }
0xfb: {  	s0 =	sshra.s32 s31, $0x2;
	s31 =	sadd.s32 $0x40, s31;
	[tilespmem:v3+s23+$0x0] =	vst.idx.add.f32.msk $0xffff, v2  }
0xfc: {  	v2 =	vld [tilespmem:s0+$0x13C00];
	_ =	sdelay $0x5  }
0xfd: {  	v3 =	vld [tilespmem:s0+$0x14BA0]  }
0xfe: {  	v5 =	vld [tilespmem:s0+$0x15B40]  }
0xff: {  	v4 =	vld.idx.msk [tilespmem:v2+s2+$0x0], $0xffff;
	_ =	sdelay $0x4  }
0x100: {  	v4 =	vmul.f32 v4, v5;
	_ =	sdelay $0x1  }
0x101: {  	[tilespmem:v3+s22+$0x0] =	vst.idx.add.f32.msk $0xffff, v4  }
0x102: {  	v2 =	vld.idx.msk [tilespmem:v2+s15+$0x0], $0xffff;
	_ =	sdelay $0x4  }
0x103: {  	v2 =	vmul.f32 v2, v5;
	_ =	sdelay $0x1  }
0x104: {  	s31 =	sadd.s32 $0xBB8, s30;
	s30 =	simm.s32 $0x0;
	[tilespmem:v3+s23+$0x0] =	vst.idx.add.f32.msk $0xffff, v2  }
0x105: {  	[tilespmem:s16], [sflag:$0x1] =	stream.linear.gather [hbm4b:s31+s30], $0x2EE0, $0x38;
	[tilespmem:$0x19A00] =	vst v63  }
0x106: {  	_ =	swait.ge [sflag:s21], $0x2EE0  }
0x107: {  	[sflag:s21] =	ssyncset.done $0x0  }
0x108: {  	s0 =	simm.s32 $0x0;
	s30 =	simm.s32 $0x40;
	[sflag:s21] =	ssyncadd.s32 $0xFFFFD120  }
.LBB2_13:
0x109: {  	p3 =	sne.s32 s30, $0x3E40;
	v2 =	vld [tilespmem:s0+$0x16B00];
	_ =	sdelay $0x6  }
0x10a: {  	v3 =	vld [tilespmem:s0+$0x17AA0]  }
0x10b: {  	v4 =	vld.idx.msk [tilespmem:v2+s2+$0x0], $0xffff  }
0x10c: {  	v5 =	vld [tilespmem:s0+$0x18A40];
	_ =	sdelay $0x4  }
0x10d: {  	v4 =	vmul.f32 v4, v5;
	_ =	sdelay $0x1  }
0x10e: {  	[tilespmem:v3+s22+$0x0] =	vst.idx.add.f32.msk $0xffff, v4  }
0x10f: {  	v2 =	vld.idx.msk [tilespmem:v2+s15+$0x0], $0xffff;
	_ =	sdelay $0x3  }
.Ltmp15:
0x110: {  	(pc) =	sbr.rel @p3 .LBB2_13-.Ltmp15, $3  }
0x111: {  	_ = 	snop  }
0x112: {  	v2 =	vmul.f32 v2, v5;
	_ =	sdelay $0x1  }
0x113: {  	s0 =	sshra.s32 s30, $0x2;
	s30 =	sadd.s32 $0x40, s30;
	[tilespmem:v3+s23+$0x0] =	vst.idx.add.f32.msk $0xffff, v2  }
0x114: {  	v2 =	vld [tilespmem:s0+$0x16B00];
	_ =	sdelay $0x5  }
0x115: {  	v3 =	vld [tilespmem:s0+$0x17AA0]  }
0x116: {  	v5 =	vld [tilespmem:s0+$0x18A40]  }
0x117: {  	v4 =	vld.idx.msk [tilespmem:v2+s2+$0x0], $0xffff;
	_ =	sdelay $0x4  }
0x118: {  	v4 =	vmul.f32 v4, v5;
	_ =	sdelay $0x1  }
0x119: {  	[tilespmem:v3+s22+$0x0] =	vst.idx.add.f32.msk $0xffff, v4  }
0x11a: {  	v2 =	vld.idx.msk [tilespmem:v2+s15+$0x0], $0xffff  }
0x11b: {  	s29 =	sadd.s32 $0x1, s29  }
0x11c: {  	p3 =	seq.s32 s29, $0x14  }
.Ltmp16:
0x11d: {  	_ = 	snop;
	(pc) =	sbr.rel @!p3 .LBB2_10-.Ltmp16, $3  }
0x11e: {  	_ = 	snop  }
0x11f: {  	v2 =	vmul.f32 v2, v5;
	_ =	sdelay $0x1  }
0x120: {  	[tilespmem:v3+s23+$0x0] =	vst.idx.add.f32.msk $0xffff, v2  }
.LBB2_26:
0x121: {  	_ =	swait.ge [sflag:s18], $0x2EE0  }
0x122: {  	[sflag:s18] =	ssyncset.done $0x0  }
0x123: {  	[sflag:s18] =	ssyncadd.s32 $0xFFFFD120  }
0x124: {  	[hbm4b:s9+s2] =	stream.linear.scatter [tilespmem:s19], [sflag:$0x3], $0x2710, $0x38;
	[tilespmem:$0x19A00] =	vst v63  }
0x125: {  	_ =	swait.ge [sflag:s14], $0x2710  }
0x126: {  	[sflag:s14] =	ssyncset.done $0x0  }
0x127: {  	[sflag:s14] =	ssyncadd.s32 $0xFFFFD8F0  }
0x128: {  	[hbm4b:s10+s2] =	stream.linear.scatter [tilespmem:s20], [sflag:$0x3], $0x2710, $0x38;
	[tilespmem:$0x19A00] =	vst v63  }
0x129: {  	_ =	swait.ge [sflag:s14], $0x2710  }
0x12a: {  	[sflag:s14] =	ssyncset.done $0x0  }
0x12b: {  	[sflag:s14] =	ssyncadd.s32 $0xFFFFD8F0  }
0x12c: {  	[hbm4b:s11+s2] =	stream.linear.scatter [tilespmem:s22], [sflag:$0x3], $0x2710, $0x38;
	[tilespmem:$0x19A00] =	vst v63  }
0x12d: {  	_ =	swait.ge [sflag:s14], $0x2710  }
0x12e: {  	[sflag:s14] =	ssyncset.done $0x0  }
.Ltmp17:
0x12f: {  	[sflag:s14] =	ssyncadd.s32 $0xFFFFD8F0;
	(pc) =	sbr.rel @p1 .LBB2_29-.Ltmp17, $4  }
0x130: {  	[hbm4b:s12+s2] =	stream.linear.scatter [tilespmem:s23], [sflag:$0x3], $0x2710, $0x38;
	[tilespmem:$0x19A00] =	vst v63  }
0x131: {  	_ =	swait.ge [sflag:s14], $0x2710  }
0x132: {  	[sflag:s14] =	ssyncset.done $0x0  }
0x133: {  	[sflag:s14] =	ssyncadd.s32 $0xFFFFD8F0  }
.Ltmp18:
0x134: {  	(pc) =	sbr.rel @p2 .LBB2_31-.Ltmp18, $1  }
0x135: {  	_ =	sdelay $0x3  }
.Ltmp19:
0x136: {  	(pc) =	sbr.rel .LBB2_30-.Ltmp19, $2  }
0x137: {  	_ =	sdelay $0x2  }
0x138: {  	[hbm4b:s5+s2] =	stream.linear.scatter [tilespmem:s25], [sflag:$0x3], $0x2780, $0x38;
	[tilespmem:$0x19A00] =	vst v63  }
.LBB2_32:
0x139: {  	_ =	sfence.sel $0x180000  }
0x13a: {  	[bflag:$0x0] =	sbarrier.arrive $0xFFFF  }
0x13b: {  	_ =	strace $0x90000047  }
0x13c: {  	[bflag:$0x2] =	sbarrier.arrive $0xFFFF  }
0x13d: {  	p0 =	sne.s32 s1, $0x0;
	s0 =	rddreg [dreg:$0x2]  }
0x13e: {  	s0 =	sadd.s32 @!p0 $0x100000, s0  }
0x13f: {  	[sflag:s0] =	ssyncadd.tile.s32 @!p0 $0x1;
	_ =	shalt  }
.Lfunc_end2:
_tile_overlayer_lowered:
.L_overlay_start_2:
0x140: {  	(tag) =	ssettag $0x2  }
0x141: {  	s0 =	rddreg [dreg:$0x0];
	s2 =	stileid.u32  }
0x142: {  	s1 =	rddreg [dreg:$0x1];
	p0 =	sne.s32 s2, $0x0  }
0x143: {  	s3 =	rddreg [dreg:$0x2];
	[bflag:$0x3] =	sbarrier.arrive $0xFFFF;
	s2 =	simm.s32 @!p0 $0x1C03  }
0x144: {  	[timem:s3], [sflag:s2] =	dma.local @!p0 [hbm:s0], s1  }
0x145: {  	s0 =	simm.s32 @!p0 $0x3  }
0x146: {  	_ =	swait.ge @!p0 [sflag:s0], s1  }
0x147: {  	s1 =	ssub.s32 @!p0 $0x0, s1;
	[sflag:s0] =	ssyncset.done @!p0 $0x0  }
0x148: {  	[sflag:s0] =	ssyncadd.s32 @!p0 s1  }
0x149: {  	[bflag:$0x3] =	sbarrier.arrive $0xFFFF  }
0x14a: {  	_ =	shalt  }

</sc_bundles>
